<compile_context>
chip_gen: v7x
topology: tpu7x:2x2x1
jax: 0.10.2.dev20260603
libtpu: 0.0.44.dev20260713+nightly
codegen_flags: <defaults>
</compile_context>

<pallas_src>
import functools

import numpy as np
import jax
import jax.numpy as jnp
from jax import lax
from jax.experimental import pallas as pl
from jax.experimental.pallas import tpu as pltpu
from jax.experimental.pallas import tpu_sc as plsc

_VOCAB = 100000
_SEQ = 200
_D = 64
_B = 4096
_NC, _NS = 2, 16
_NW = _NC * _NS
_BPW = _B // _NW
_HALF = _SEQ // 2


def _pos_enc():
    pos = np.arange(_SEQ, dtype=np.float32)[:, None]
    i = np.arange(_D, dtype=np.float32)[None, :]
    rates = 1.0 / np.power(10000.0, (2.0 * np.floor(i / 2.0)) / _D)
    ang = pos * rates
    pe = np.zeros((_SEQ, _D), np.float32)
    pe[:, 0::2] = np.sin(ang[:, 0::2])
    pe[:, 1::2] = np.cos(ang[:, 1::2])
    return pe


def _body(x2, pe_h, tab, out, idx_all, pe_v, rows0, rows1, g0, g1, s0, s1):
    wid = lax.axis_index("s") * _NC + lax.axis_index("c")
    pltpu.sync_copy(x2.at[pl.ds(wid * 2 * _BPW, 2 * _BPW)], idx_all)
    pltpu.sync_copy(pe_h, pe_v)
    rows = (rows0, rows1)
    gs = (g0, g1)
    ss = (s0, s1)
    out_base = wid * _BPW

    def gather_start(r, b):
        pltpu.make_async_copy(
            tab.at[idx_all.at[2 * r]], rows[b].at[pl.ds(0, _HALF)], gs[b]
        ).start()
        pltpu.make_async_copy(
            tab.at[idx_all.at[2 * r + 1]], rows[b].at[pl.ds(_HALF, _HALF)], gs[b]
        ).start()

    def gather_wait(b):
        pltpu.make_async_copy(
            tab.at[idx_all.at[0]], rows[b].at[pl.ds(0, _HALF)], gs[b]
        ).wait()
        pltpu.make_async_copy(
            tab.at[idx_all.at[1]], rows[b].at[pl.ds(_HALF, _HALF)], gs[b]
        ).wait()

    def store_start(r, b):
        pltpu.make_async_copy(
            rows[b], out.at[pl.ds((out_base + r) * _SEQ, _SEQ)], ss[b]
        ).start()

    def store_wait(b):
        pltpu.make_async_copy(rows[b], out.at[pl.ds(0, _SEQ)], ss[b]).wait()

    gather_start(0, 0)

    def step(r2, carry):
        for b in range(2):
            r = r2 + b
            nb = 1 - b

            @pl.when(r + 1 < _BPW)
            def _():
                @pl.when(r >= 1)
                def _():
                    store_wait(nb)

                gather_start(r + 1, nb)

            gather_wait(b)

            @plsc.parallel_loop(0, _SEQ, 1, unroll=8)
            def _(rr):
                for c in range(_D // 16):
                    plsc.addupdate(
                        rows[b].at[rr, pl.ds(c * 16, 16)],
                        pe_v[rr, pl.ds(c * 16, 16)],
                    )
            store_start(r, b)
        return carry

    lax.fori_loop(0, _BPW // 2, lambda i, c: step(i * 2, c), 0)
    store_wait(0)
    store_wait(1)


@jax.jit
def kernel(x, table):
    x2 = x.astype(jnp.int32).reshape(_B * 2, _SEQ // 2)
    pe = jnp.asarray(_pos_enc())
    mesh = plsc.VectorSubcoreMesh(
        core_axis_name="c", subcore_axis_name="s", num_cores=_NC, num_subcores=_NS
    )
    run = pl.kernel(
        _body,
        out_type=jax.ShapeDtypeStruct((_B * _SEQ, _D), jnp.float32),
        mesh=mesh,
        compiler_params=pltpu.CompilerParams(use_tc_tiling_on_sc=False),
        scratch_types=[
            pltpu.VMEM((2 * _BPW, _HALF), jnp.int32),
            pltpu.VMEM((_SEQ, _D), jnp.float32),
            pltpu.VMEM((_SEQ, _D), jnp.float32),
            pltpu.VMEM((_SEQ, _D), jnp.float32),
            pltpu.SemaphoreType.DMA,
            pltpu.SemaphoreType.DMA,
            pltpu.SemaphoreType.DMA,
            pltpu.SemaphoreType.DMA,
        ],
    )
    out = run(x2, pe, table)
    return out.reshape(_B, _SEQ, _D)

# --- scband reference (transcript-rebuilt; emitter-appended) ---
"""Pipeline reference for scband-embedding-12730283065769 (READ-ONLY COPY).

The authoritative reference and input builder live on the scoring server;
editing this copy changes nothing except your own understanding.
"""

import jax, jax.numpy as jnp
import numpy as np

VOCAB = 100000
SEQ_LEN = 200
D_MODEL = 64
BATCH = 4096


def _sinusoidal_pos_enc(length, d_model):
    pos = np.arange(length, dtype=np.float32)[:, None]
    i = np.arange(d_model, dtype=np.float32)[None, :]
    angle_rates = 1.0 / np.power(10000.0, (2.0 * np.floor(i / 2.0)) / d_model)
    angles = pos * angle_rates
    pe = np.zeros((length, d_model), dtype=np.float32)
    pe[:, 0::2] = np.sin(angles[:, 0::2])
    pe[:, 1::2] = np.cos(angles[:, 1::2])
    return jnp.asarray(pe)


def setup_inputs(seed: int = 0) -> dict:
    key = jax.random.key(seed)
    k_idx, k_tab = jax.random.split(key)
    x = jax.random.randint(k_idx, (BATCH, SEQ_LEN), 0, VOCAB, dtype=jnp.int64 if jax.config.jax_enable_x64 else jnp.int32)
    table = jax.random.normal(k_tab, (VOCAB, D_MODEL), dtype=jnp.float32)
    return {"x": x, "table": table}


def reference(x, table):
    # embedding lookup (gather)
    embed = jnp.take(table, x, axis=0)  # (B, L, D)
    # positional encoding buffer (non-trainable), broadcast over batch
    pe = _sinusoidal_pos_enc(SEQ_LEN, D_MODEL)  # (L, D)
    out = embed + pe[None, :, :]
    return out

if __name__ == "__main__":
    import jax
    _d = setup_inputs()
    print(jax.jit(kernel)(*tuple(_d.values())))

</pallas_src>

<mosaic_0001>
#map = affine_map<(d0, d1) -> (0, 0)>
module attributes {stable_mosaic.version = 14 : i64} {
  func.func @_body(%arg0: i32, %arg1: i32, %arg2: memref<8192x100xi32, #tpu.memory_space<hbm>>, %arg3: memref<200x64xf32, #tpu.memory_space<hbm>>, %arg4: memref<100000x64xf32, #tpu.memory_space<hbm>>, %arg5: memref<819200x64xf32, #tpu.memory_space<hbm>>, %arg6: memref<256x100xi32, #tpu.memory_space<vmem>>, %arg7: memref<200x64xf32, #tpu.memory_space<vmem>>, %arg8: memref<200x64xf32, #tpu.memory_space<vmem>>, %arg9: memref<200x64xf32, #tpu.memory_space<vmem>>, %arg10: memref<!tpu.dma_semaphore, #tpu.memory_space<semaphore_mem>>, %arg11: memref<!tpu.dma_semaphore, #tpu.memory_space<semaphore_mem>>, %arg12: memref<!tpu.dma_semaphore, #tpu.memory_space<semaphore_mem>>, %arg13: memref<!tpu.dma_semaphore, #tpu.memory_space<semaphore_mem>>) attributes {dimension_semantics = [#tpu.dimension_semantics<core_parallel>, #tpu.dimension_semantics<subcore_parallel>], iteration_bounds = array<i64: 2, 16>, scalar_prefetch = 0 : i64, scratch_operands = 8 : i64, tpu.core_type = #tpu.core_type<sc_vector_subcore>, window_params = [{transform_indices = #map}, {transform_indices = #map}, {transform_indices = #map}, {transform_indices = #map}]} {
    %mul3A = arith.constant 2 : i32
    %mul3A_0 = arith.muli %arg1, %mul3A : i32
    %add3A = arith.addi %mul3A_0, %arg0 : i32
    %mul3A_1 = arith.constant 2 : i32
    %mul3A_2 = arith.muli %add3A, %mul3A_1 : i32
    %mul3A_3 = arith.constant 128 : i32
    %mul3A_4 = arith.muli %mul3A_2, %mul3A_3 : i32
    "tpu.region"() ({
      %run_scoped3A = tpu.sem_alloc : memref<!tpu.dma_semaphore, #tpu.memory_space<semaphore_mem>>
      %dma_start3A_42 = arith.constant 0 : i32
      %dma_start3A_43 = tpu.memref_slice %arg2[%mul3A_4, %dma_start3A_42] : memref<8192x100xi32, #tpu.memory_space<hbm>> -> memref<256x100xi32, #tpu.memory_space<hbm>>
      %dma_start3A_44 = arith.constant 0 : i32
      %dma_start3A_45 = tpu.memref_slice %arg2[%mul3A_4, %dma_start3A_44] : memref<8192x100xi32, #tpu.memory_space<hbm>> -> memref<256x100xi32, #tpu.memory_space<hbm>>
      tpu.enqueue_dma source(%dma_start3A_45 : memref<256x100xi32, #tpu.memory_space<hbm>>) target(%arg6 : memref<256x100xi32, #tpu.memory_space<vmem>>) target_semaphore(%run_scoped3A : memref<!tpu.dma_semaphore, #tpu.memory_space<semaphore_mem>>)
      %dma_wait3A_46 = arith.constant 0 : i32
      %dma_wait3A_47 = tpu.memref_slice %arg2[%mul3A_4, %dma_wait3A_46] : memref<8192x100xi32, #tpu.memory_space<hbm>> -> memref<256x100xi32, #tpu.memory_space<hbm>>
      %dma_wait3A_48 = arith.constant 0 : i32
      %dma_wait3A_49 = tpu.memref_slice %arg2[%mul3A_4, %dma_wait3A_48] : memref<8192x100xi32, #tpu.memory_space<hbm>> -> memref<256x100xi32, #tpu.memory_space<hbm>>
      tpu.wait_dma2 semaphore(%run_scoped3A : memref<!tpu.dma_semaphore, #tpu.memory_space<semaphore_mem>>) src(%dma_wait3A_49 : memref<256x100xi32, #tpu.memory_space<hbm>>) dst(%arg6 : memref<256x100xi32, #tpu.memory_space<vmem>>)
      tpu.yield
    }) : () -> ()
    "tpu.region"() ({
      %run_scoped3A = tpu.sem_alloc : memref<!tpu.dma_semaphore, #tpu.memory_space<semaphore_mem>>
      tpu.enqueue_dma source(%arg3 : memref<200x64xf32, #tpu.memory_space<hbm>>) target(%arg7 : memref<200x64xf32, #tpu.memory_space<vmem>>) target_semaphore(%run_scoped3A : memref<!tpu.dma_semaphore, #tpu.memory_space<semaphore_mem>>)
      tpu.wait_dma2 semaphore(%run_scoped3A : memref<!tpu.dma_semaphore, #tpu.memory_space<semaphore_mem>>) src(%arg3 : memref<200x64xf32, #tpu.memory_space<hbm>>) dst(%arg7 : memref<200x64xf32, #tpu.memory_space<vmem>>)
      tpu.yield
    }) : () -> ()
    %mul3A_5 = arith.constant 128 : i32
    %mul3A_6 = arith.muli %add3A, %mul3A_5 : i32
    %dma_start3A = arith.constant 0 : i32
    %dma_start3A_7 = arith.constant 0 : i32
    %dma_start3A_8 = arith.constant 0 : i32
    %dma_start3A_9 = tpu.memref_slice %arg8[%dma_start3A_7, %dma_start3A_8] : memref<200x64xf32, #tpu.memory_space<vmem>> -> memref<100x64xf32, #tpu.memory_space<vmem>>
    %dma_start3A_10 = arith.constant 0 : i32
    %dma_start3A_11 = tpu.memref_slice %arg6[%dma_start3A, %dma_start3A_10] : memref<256x100xi32, #tpu.memory_space<vmem>> -> memref<1x100xi32, #tpu.memory_space<vmem>>
    %dma_start3A_12 = tpu.memref_squeeze %dma_start3A_11 : memref<1x100xi32, #tpu.memory_space<vmem>> -> memref<100xi32, #tpu.memory_space<vmem>>
    %dma_start3A_13 = arith.constant 0 : i32
    %dma_start3A_14 = arith.constant 0 : i32
    %dma_start3A_15 = tpu.memref_slice %arg4[%dma_start3A_13, %dma_start3A_14] : memref<100000x64xf32, #tpu.memory_space<hbm>> -> memref<100000x64xf32, #tpu.memory_space<hbm>>
    tpu.enqueue_indirect_dma source(%dma_start3A_15 : memref<100000x64xf32, #tpu.memory_space<hbm>>) target(%dma_start3A_9 : memref<100x64xf32, #tpu.memory_space<vmem>>) offsets(%dma_start3A_12 : memref<100xi32, #tpu.memory_space<vmem>>) semaphore(%arg10 : memref<!tpu.dma_semaphore, #tpu.memory_space<semaphore_mem>>)
    %dma_start3A_16 = arith.constant 1 : i32
    %dma_start3A_17 = arith.constant 100 : i32
    %dma_start3A_18 = arith.constant 0 : i32
    %dma_start3A_19 = tpu.memref_slice %arg8[%dma_start3A_17, %dma_start3A_18] : memref<200x64xf32, #tpu.memory_space<vmem>> -> memref<100x64xf32, #tpu.memory_space<vmem>>
    %dma_start3A_20 = arith.constant 0 : i32
    %dma_start3A_21 = tpu.memref_slice %arg6[%dma_start3A_16, %dma_start3A_20] : memref<256x100xi32, #tpu.memory_space<vmem>> -> memref<1x100xi32, #tpu.memory_space<vmem>>
    %dma_start3A_22 = tpu.memref_squeeze %dma_start3A_21 : memref<1x100xi32, #tpu.memory_space<vmem>> -> memref<100xi32, #tpu.memory_space<vmem>>
    %dma_start3A_23 = arith.constant 0 : i32
    %dma_start3A_24 = arith.constant 0 : i32
    %dma_start3A_25 = tpu.memref_slice %arg4[%dma_start3A_23, %dma_start3A_24] : memref<100000x64xf32, #tpu.memory_space<hbm>> -> memref<100000x64xf32, #tpu.memory_space<hbm>>
    tpu.enqueue_indirect_dma source(%dma_start3A_25 : memref<100000x64xf32, #tpu.memory_space<hbm>>) target(%dma_start3A_19 : memref<100x64xf32, #tpu.memory_space<vmem>>) offsets(%dma_start3A_22 : memref<100xi32, #tpu.memory_space<vmem>>) semaphore(%arg10 : memref<!tpu.dma_semaphore, #tpu.memory_space<semaphore_mem>>)
    %scan3A = arith.constant 0 : i32
    %scan3A_26 = arith.constant 0 : i32
    %scan3A_27 = arith.constant 64 : i32
    %scan3A_28 = arith.addi %scan3A_26, %scan3A_27 : i32
    %scan3A_29 = arith.constant 1 : i32
    scf.for %scan3A_42 = %scan3A_26 to %scan3A_28 step %scan3A_29  : i32 {
      %mul3A_43 = arith.constant 2 : i32
      %mul3A_44 = arith.muli %scan3A_42, %mul3A_43 : i32
      %add3A_45 = arith.constant 0 : i32
      %add3A_46 = arith.addi %mul3A_44, %add3A_45 : i32
      %add3A_47 = arith.constant 1 : i32
      %add3A_48 = arith.addi %add3A_46, %add3A_47 : i32
      %lt3A = arith.constant 128 : i32
      %lt3A_49 = arith.cmpi slt, %add3A_48, %lt3A : i32
      %convert_element_type3A = arith.extui %lt3A_49 : i1 to i32
      %cond3A = arith.constant 0 : i32
      %cond3A_50 = arith.cmpi ne, %convert_element_type3A, %cond3A : i32
      scf.if %cond3A_50 {
        %ge3A = arith.constant 1 : i32
        %ge3A_119 = arith.cmpi sge, %add3A_46, %ge3A : i32
        %convert_element_type3A_120 = arith.extui %ge3A_119 : i1 to i32
        %cond3A_121 = arith.constant 0 : i32
        %cond3A_122 = arith.cmpi ne, %convert_element_type3A_120, %cond3A_121 : i32
        scf.if %cond3A_122 {
          %dma_wait3A_149 = arith.constant 0 : i32
          %dma_wait3A_150 = arith.constant 0 : i32
          %dma_wait3A_151 = tpu.memref_slice %arg5[%dma_wait3A_149, %dma_wait3A_150] : memref<819200x64xf32, #tpu.memory_space<hbm>> -> memref<200x64xf32, #tpu.memory_space<hbm>>
          %dma_wait3A_152 = arith.constant 0 : i32
          %dma_wait3A_153 = arith.constant 0 : i32
          %dma_wait3A_154 = tpu.memref_slice %arg5[%dma_wait3A_152, %dma_wait3A_153] : memref<819200x64xf32, #tpu.memory_space<hbm>> -> memref<200x64xf32, #tpu.memory_space<hbm>>
          tpu.wait_dma2 semaphore(%arg13 : memref<!tpu.dma_semaphore, #tpu.memory_space<semaphore_mem>>) src(%arg9 : memref<200x64xf32, #tpu.memory_space<vmem>>) dst(%dma_wait3A_154 : memref<200x64xf32, #tpu.memory_space<hbm>>)
        } else {
        }
        %add3A_123 = arith.constant 1 : i32
        %add3A_124 = arith.addi %add3A_46, %add3A_123 : i32
        %mul3A_125 = arith.constant 2 : i32
        %mul3A_126 = arith.muli %mul3A_125, %add3A_124 : i32
        %dma_start3A_127 = arith.constant 0 : i32
        %dma_start3A_128 = arith.constant 0 : i32
        %dma_start3A_129 = tpu.memref_slice %arg9[%dma_start3A_127, %dma_start3A_128] : memref<200x64xf32, #tpu.memory_space<vmem>> -> memref<100x64xf32, #tpu.memory_space<vmem>>
        %dma_start3A_130 = arith.constant 0 : i32
        %dma_start3A_131 = tpu.memref_slice %arg6[%mul3A_126, %dma_start3A_130] : memref<256x100xi32, #tpu.memory_space<vmem>> -> memref<1x100xi32, #tpu.memory_space<vmem>>
        %dma_start3A_132 = tpu.memref_squeeze %dma_start3A_131 : memref<1x100xi32, #tpu.memory_space<vmem>> -> memref<100xi32, #tpu.memory_space<vmem>>
        %dma_start3A_133 = arith.constant 0 : i32
        %dma_start3A_134 = arith.constant 0 : i32
        %dma_start3A_135 = tpu.memref_slice %arg4[%dma_start3A_133, %dma_start3A_134] : memref<100000x64xf32, #tpu.memory_space<hbm>> -> memref<100000x64xf32, #tpu.memory_space<hbm>>
        tpu.enqueue_indirect_dma source(%dma_start3A_135 : memref<100000x64xf32, #tpu.memory_space<hbm>>) target(%dma_start3A_129 : memref<100x64xf32, #tpu.memory_space<vmem>>) offsets(%dma_start3A_132 : memref<100xi32, #tpu.memory_space<vmem>>) semaphore(%arg11 : memref<!tpu.dma_semaphore, #tpu.memory_space<semaphore_mem>>)
        %mul3A_136 = arith.constant 2 : i32
        %mul3A_137 = arith.muli %mul3A_136, %add3A_124 : i32
        %add3A_138 = arith.constant 1 : i32
        %add3A_139 = arith.addi %mul3A_137, %add3A_138 : i32
        %dma_start3A_140 = arith.constant 100 : i32
        %dma_start3A_141 = arith.constant 0 : i32
        %dma_start3A_142 = tpu.memref_slice %arg9[%dma_start3A_140, %dma_start3A_141] : memref<200x64xf32, #tpu.memory_space<vmem>> -> memref<100x64xf32, #tpu.memory_space<vmem>>
        %dma_start3A_143 = arith.constant 0 : i32
        %dma_start3A_144 = tpu.memref_slice %arg6[%add3A_139, %dma_start3A_143] : memref<256x100xi32, #tpu.memory_space<vmem>> -> memref<1x100xi32, #tpu.memory_space<vmem>>
        %dma_start3A_145 = tpu.memref_squeeze %dma_start3A_144 : memref<1x100xi32, #tpu.memory_space<vmem>> -> memref<100xi32, #tpu.memory_space<vmem>>
        %dma_start3A_146 = arith.constant 0 : i32
        %dma_start3A_147 = arith.constant 0 : i32
        %dma_start3A_148 = tpu.memref_slice %arg4[%dma_start3A_146, %dma_start3A_147] : memref<100000x64xf32, #tpu.memory_space<hbm>> -> memref<100000x64xf32, #tpu.memory_space<hbm>>
        tpu.enqueue_indirect_dma source(%dma_start3A_148 : memref<100000x64xf32, #tpu.memory_space<hbm>>) target(%dma_start3A_142 : memref<100x64xf32, #tpu.memory_space<vmem>>) offsets(%dma_start3A_145 : memref<100xi32, #tpu.memory_space<vmem>>) semaphore(%arg11 : memref<!tpu.dma_semaphore, #tpu.memory_space<semaphore_mem>>)
      } else {
      }
      %dma_wait3A_51 = arith.constant 0 : i32
      %dma_wait3A_52 = arith.constant 0 : i32
      %dma_wait3A_53 = arith.constant 0 : i32
      %dma_wait3A_54 = tpu.memref_slice %arg8[%dma_wait3A_52, %dma_wait3A_53] : memref<200x64xf32, #tpu.memory_space<vmem>> -> memref<100x64xf32, #tpu.memory_space<vmem>>
      %dma_wait3A_55 = arith.constant 0 : i32
      %dma_wait3A_56 = tpu.memref_slice %arg6[%dma_wait3A_51, %dma_wait3A_55] : memref<256x100xi32, #tpu.memory_space<vmem>> -> memref<1x100xi32, #tpu.memory_space<vmem>>
      %dma_wait3A_57 = tpu.memref_squeeze %dma_wait3A_56 : memref<1x100xi32, #tpu.memory_space<vmem>> -> memref<100xi32, #tpu.memory_space<vmem>>
      %dma_wait3A_58 = arith.constant 0 : i32
      %dma_wait3A_59 = arith.constant 0 : i32
      %dma_wait3A_60 = tpu.memref_slice %arg4[%dma_wait3A_58, %dma_wait3A_59] : memref<100000x64xf32, #tpu.memory_space<hbm>> -> memref<100000x64xf32, #tpu.memory_space<hbm>>
      tpu.wait_indirect_dma semaphore(%arg10 : memref<!tpu.dma_semaphore, #tpu.memory_space<semaphore_mem>>) src(%dma_wait3A_60 : memref<100000x64xf32, #tpu.memory_space<hbm>>) dst(%dma_wait3A_54 : memref<100x64xf32, #tpu.memory_space<vmem>>)
      %dma_wait3A_61 = arith.constant 1 : i32
      %dma_wait3A_62 = arith.constant 100 : i32
      %dma_wait3A_63 = arith.constant 0 : i32
      %dma_wait3A_64 = tpu.memref_slice %arg8[%dma_wait3A_62, %dma_wait3A_63] : memref<200x64xf32, #tpu.memory_space<vmem>> -> memref<100x64xf32, #tpu.memory_space<vmem>>
      %dma_wait3A_65 = arith.constant 0 : i32
      %dma_wait3A_66 = tpu.memref_slice %arg6[%dma_wait3A_61, %dma_wait3A_65] : memref<256x100xi32, #tpu.memory_space<vmem>> -> memref<1x100xi32, #tpu.memory_space<vmem>>
      %dma_wait3A_67 = tpu.memref_squeeze %dma_wait3A_66 : memref<1x100xi32, #tpu.memory_space<vmem>> -> memref<100xi32, #tpu.memory_space<vmem>>
      %dma_wait3A_68 = arith.constant 0 : i32
      %dma_wait3A_69 = arith.constant 0 : i32
      %dma_wait3A_70 = tpu.memref_slice %arg4[%dma_wait3A_68, %dma_wait3A_69] : memref<100000x64xf32, #tpu.memory_space<hbm>> -> memref<100000x64xf32, #tpu.memory_space<hbm>>
      tpu.wait_indirect_dma semaphore(%arg10 : memref<!tpu.dma_semaphore, #tpu.memory_space<semaphore_mem>>) src(%dma_wait3A_70 : memref<100000x64xf32, #tpu.memory_space<hbm>>) dst(%dma_wait3A_64 : memref<100x64xf32, #tpu.memory_space<vmem>>)
      %parallel_loop3A = arith.constant 0 : i32
      %parallel_loop3A_71 = arith.constant 200 : i32
      %parallel_loop3A_72 = arith.constant 1 : i32
      scf.for %parallel_loop3A_119 = %parallel_loop3A to %parallel_loop3A_71 step %parallel_loop3A_72  : i32 {
        %parallel_loop3A_120 = arith.index_cast %parallel_loop3A_119 : i32 to index
        %parallel_loop3A_121 = arith.constant 0 : index
        %parallel_loop3A_122 = tpu.vector_load %arg7[%parallel_loop3A_120, %parallel_loop3A_121] {strides = array<i32>} : memref<200x64xf32, #tpu.memory_space<vmem>>, vector<1x16xf32>,
        %parallel_loop3A_123 = vector.shape_cast %parallel_loop3A_122 : vector<1x16xf32> to vector<16xf32>
        %parallel_loop3A_124 = arith.index_cast %parallel_loop3A_119 : i32 to index
        %parallel_loop3A_125 = arith.constant 0 : index
        %parallel_loop3A_126 = tpu.vector_load %arg8[%parallel_loop3A_124, %parallel_loop3A_125] {strides = array<i32>} : memref<200x64xf32, #tpu.memory_space<vmem>>, vector<1x16xf32>,
        %parallel_loop3A_127 = vector.shape_cast %parallel_loop3A_126 : vector<1x16xf32> to vector<16xf32>
        %parallel_loop3A_128 = vector.shape_cast %parallel_loop3A_123 : vector<16xf32> to vector<1x16xf32>
        tpu.vector_store %arg8[%parallel_loop3A_124, %parallel_loop3A_125], %parallel_loop3A_128 {add = true, strides = array<i32>} : memref<200x64xf32, #tpu.memory_space<vmem>>, vector<1x16xf32>,
        %parallel_loop3A_129 = arith.index_cast %parallel_loop3A_119 : i32 to index
        %parallel_loop3A_130 = arith.constant 16 : index
        %parallel_loop3A_131 = tpu.vector_load %arg7[%parallel_loop3A_129, %parallel_loop3A_130] {strides = array<i32>} : memref<200x64xf32, #tpu.memory_space<vmem>>, vector<1x16xf32>,
        %parallel_loop3A_132 = vector.shape_cast %parallel_loop3A_131 : vector<1x16xf32> to vector<16xf32>
        %parallel_loop3A_133 = arith.index_cast %parallel_loop3A_119 : i32 to index
        %parallel_loop3A_134 = arith.constant 16 : index
        %parallel_loop3A_135 = tpu.vector_load %arg8[%parallel_loop3A_133, %parallel_loop3A_134] {strides = array<i32>} : memref<200x64xf32, #tpu.memory_space<vmem>>, vector<1x16xf32>,
        %parallel_loop3A_136 = vector.shape_cast %parallel_loop3A_135 : vector<1x16xf32> to vector<16xf32>
        %parallel_loop3A_137 = vector.shape_cast %parallel_loop3A_132 : vector<16xf32> to vector<1x16xf32>
        tpu.vector_store %arg8[%parallel_loop3A_133, %parallel_loop3A_134], %parallel_loop3A_137 {add = true, strides = array<i32>} : memref<200x64xf32, #tpu.memory_space<vmem>>, vector<1x16xf32>,
        %parallel_loop3A_138 = arith.index_cast %parallel_loop3A_119 : i32 to index
        %parallel_loop3A_139 = arith.constant 32 : index
        %parallel_loop3A_140 = tpu.vector_load %arg7[%parallel_loop3A_138, %parallel_loop3A_139] {strides = array<i32>} : memref<200x64xf32, #tpu.memory_space<vmem>>, vector<1x16xf32>,
        %parallel_loop3A_141 = vector.shape_cast %parallel_loop3A_140 : vector<1x16xf32> to vector<16xf32>
        %parallel_loop3A_142 = arith.index_cast %parallel_loop3A_119 : i32 to index
        %parallel_loop3A_143 = arith.constant 32 : index
        %parallel_loop3A_144 = tpu.vector_load %arg8[%parallel_loop3A_142, %parallel_loop3A_143] {strides = array<i32>} : memref<200x64xf32, #tpu.memory_space<vmem>>, vector<1x16xf32>,
        %parallel_loop3A_145 = vector.shape_cast %parallel_loop3A_144 : vector<1x16xf32> to vector<16xf32>
        %parallel_loop3A_146 = vector.shape_cast %parallel_loop3A_141 : vector<16xf32> to vector<1x16xf32>
        tpu.vector_store %arg8[%parallel_loop3A_142, %parallel_loop3A_143], %parallel_loop3A_146 {add = true, strides = array<i32>} : memref<200x64xf32, #tpu.memory_space<vmem>>, vector<1x16xf32>,
        %parallel_loop3A_147 = arith.index_cast %parallel_loop3A_119 : i32 to index
        %parallel_loop3A_148 = arith.constant 48 : index
        %parallel_loop3A_149 = tpu.vector_load %arg7[%parallel_loop3A_147, %parallel_loop3A_148] {strides = array<i32>} : memref<200x64xf32, #tpu.memory_space<vmem>>, vector<1x16xf32>,
        %parallel_loop3A_150 = vector.shape_cast %parallel_loop3A_149 : vector<1x16xf32> to vector<16xf32>
        %parallel_loop3A_151 = arith.index_cast %parallel_loop3A_119 : i32 to index
        %parallel_loop3A_152 = arith.constant 48 : index
        %parallel_loop3A_153 = tpu.vector_load %arg8[%parallel_loop3A_151, %parallel_loop3A_152] {strides = array<i32>} : memref<200x64xf32, #tpu.memory_space<vmem>>, vector<1x16xf32>,
        %parallel_loop3A_154 = vector.shape_cast %parallel_loop3A_153 : vector<1x16xf32> to vector<16xf32>
        %parallel_loop3A_155 = vector.shape_cast %parallel_loop3A_150 : vector<16xf32> to vector<1x16xf32>
        tpu.vector_store %arg8[%parallel_loop3A_151, %parallel_loop3A_152], %parallel_loop3A_155 {add = true, strides = array<i32>} : memref<200x64xf32, #tpu.memory_space<vmem>>, vector<1x16xf32>,
      } {sc.loop_unroll_factor = 8 : i64, sc.parallel_access}
      %add3A_73 = arith.addi %mul3A_6, %add3A_46 : i32
      %mul3A_74 = arith.constant 200 : i32
      %mul3A_75 = arith.muli %add3A_73, %mul3A_74 : i32
      %dma_start3A_76 = arith.constant 0 : i32
      %dma_start3A_77 = tpu.memref_slice %arg5[%mul3A_75, %dma_start3A_76] : memref<819200x64xf32, #tpu.memory_space<hbm>> -> memref<200x64xf32, #tpu.memory_space<hbm>>
      %dma_start3A_78 = arith.constant 0 : i32
      %dma_start3A_79 = tpu.memref_slice %arg5[%mul3A_75, %dma_start3A_78] : memref<819200x64xf32, #tpu.memory_space<hbm>> -> memref<200x64xf32, #tpu.memory_space<hbm>>
      tpu.enqueue_dma source(%arg8 : memref<200x64xf32, #tpu.memory_space<vmem>>) target(%dma_start3A_79 : memref<200x64xf32, #tpu.memory_space<hbm>>) target_semaphore(%arg12 : memref<!tpu.dma_semaphore, #tpu.memory_space<semaphore_mem>>)
      %add3A_80 = arith.constant 1 : i32
      %add3A_81 = arith.addi %mul3A_44, %add3A_80 : i32
      %add3A_82 = arith.constant 1 : i32
      %add3A_83 = arith.addi %add3A_81, %add3A_82 : i32
      %lt3A_84 = arith.constant 128 : i32
      %lt3A_85 = arith.cmpi slt, %add3A_83, %lt3A_84 : i32
      %convert_element_type3A_86 = arith.extui %lt3A_85 : i1 to i32
      %cond3A_87 = arith.constant 0 : i32
      %cond3A_88 = arith.cmpi ne, %convert_element_type3A_86, %cond3A_87 : i32
      scf.if %cond3A_88 {
        %ge3A = arith.constant 1 : i32
        %ge3A_119 = arith.cmpi sge, %add3A_81, %ge3A : i32
        %convert_element_type3A_120 = arith.extui %ge3A_119 : i1 to i32
        %cond3A_121 = arith.constant 0 : i32
        %cond3A_122 = arith.cmpi ne, %convert_element_type3A_120, %cond3A_121 : i32
        scf.if %cond3A_122 {
          %dma_wait3A_149 = arith.constant 0 : i32
          %dma_wait3A_150 = arith.constant 0 : i32
          %dma_wait3A_151 = tpu.memref_slice %arg5[%dma_wait3A_149, %dma_wait3A_150] : memref<819200x64xf32, #tpu.memory_space<hbm>> -> memref<200x64xf32, #tpu.memory_space<hbm>>
          %dma_wait3A_152 = arith.constant 0 : i32
          %dma_wait3A_153 = arith.constant 0 : i32
          %dma_wait3A_154 = tpu.memref_slice %arg5[%dma_wait3A_152, %dma_wait3A_153] : memref<819200x64xf32, #tpu.memory_space<hbm>> -> memref<200x64xf32, #tpu.memory_space<hbm>>
          tpu.wait_dma2 semaphore(%arg12 : memref<!tpu.dma_semaphore, #tpu.memory_space<semaphore_mem>>) src(%arg8 : memref<200x64xf32, #tpu.memory_space<vmem>>) dst(%dma_wait3A_154 : memref<200x64xf32, #tpu.memory_space<hbm>>)
        } else {
        }
        %add3A_123 = arith.constant 1 : i32
        %add3A_124 = arith.addi %add3A_81, %add3A_123 : i32
        %mul3A_125 = arith.constant 2 : i32
        %mul3A_126 = arith.muli %mul3A_125, %add3A_124 : i32
        %dma_start3A_127 = arith.constant 0 : i32
        %dma_start3A_128 = arith.constant 0 : i32
        %dma_start3A_129 = tpu.memref_slice %arg8[%dma_start3A_127, %dma_start3A_128] : memref<200x64xf32, #tpu.memory_space<vmem>> -> memref<100x64xf32, #tpu.memory_space<vmem>>
        %dma_start3A_130 = arith.constant 0 : i32
        %dma_start3A_131 = tpu.memref_slice %arg6[%mul3A_126, %dma_start3A_130] : memref<256x100xi32, #tpu.memory_space<vmem>> -> memref<1x100xi32, #tpu.memory_space<vmem>>
        %dma_start3A_132 = tpu.memref_squeeze %dma_start3A_131 : memref<1x100xi32, #tpu.memory_space<vmem>> -> memref<100xi32, #tpu.memory_space<vmem>>
        %dma_start3A_133 = arith.constant 0 : i32
        %dma_start3A_134 = arith.constant 0 : i32
        %dma_start3A_135 = tpu.memref_slice %arg4[%dma_start3A_133, %dma_start3A_134] : memref<100000x64xf32, #tpu.memory_space<hbm>> -> memref<100000x64xf32, #tpu.memory_space<hbm>>
        tpu.enqueue_indirect_dma source(%dma_start3A_135 : memref<100000x64xf32, #tpu.memory_space<hbm>>) target(%dma_start3A_129 : memref<100x64xf32, #tpu.memory_space<vmem>>) offsets(%dma_start3A_132 : memref<100xi32, #tpu.memory_space<vmem>>) semaphore(%arg10 : memref<!tpu.dma_semaphore, #tpu.memory_space<semaphore_mem>>)
        %mul3A_136 = arith.constant 2 : i32
        %mul3A_137 = arith.muli %mul3A_136, %add3A_124 : i32
        %add3A_138 = arith.constant 1 : i32
        %add3A_139 = arith.addi %mul3A_137, %add3A_138 : i32
        %dma_start3A_140 = arith.constant 100 : i32
        %dma_start3A_141 = arith.constant 0 : i32
        %dma_start3A_142 = tpu.memref_slice %arg8[%dma_start3A_140, %dma_start3A_141] : memref<200x64xf32, #tpu.memory_space<vmem>> -> memref<100x64xf32, #tpu.memory_space<vmem>>
        %dma_start3A_143 = arith.constant 0 : i32
        %dma_start3A_144 = tpu.memref_slice %arg6[%add3A_139, %dma_start3A_143] : memref<256x100xi32, #tpu.memory_space<vmem>> -> memref<1x100xi32, #tpu.memory_space<vmem>>
        %dma_start3A_145 = tpu.memref_squeeze %dma_start3A_144 : memref<1x100xi32, #tpu.memory_space<vmem>> -> memref<100xi32, #tpu.memory_space<vmem>>
        %dma_start3A_146 = arith.constant 0 : i32
        %dma_start3A_147 = arith.constant 0 : i32
        %dma_start3A_148 = tpu.memref_slice %arg4[%dma_start3A_146, %dma_start3A_147] : memref<100000x64xf32, #tpu.memory_space<hbm>> -> memref<100000x64xf32, #tpu.memory_space<hbm>>
        tpu.enqueue_indirect_dma source(%dma_start3A_148 : memref<100000x64xf32, #tpu.memory_space<hbm>>) target(%dma_start3A_142 : memref<100x64xf32, #tpu.memory_space<vmem>>) offsets(%dma_start3A_145 : memref<100xi32, #tpu.memory_space<vmem>>) semaphore(%arg10 : memref<!tpu.dma_semaphore, #tpu.memory_space<semaphore_mem>>)
      } else {
      }
      %dma_wait3A_89 = arith.constant 0 : i32
      %dma_wait3A_90 = arith.constant 0 : i32
      %dma_wait3A_91 = arith.constant 0 : i32
      %dma_wait3A_92 = tpu.memref_slice %arg9[%dma_wait3A_90, %dma_wait3A_91] : memref<200x64xf32, #tpu.memory_space<vmem>> -> memref<100x64xf32, #tpu.memory_space<vmem>>
      %dma_wait3A_93 = arith.constant 0 : i32
      %dma_wait3A_94 = tpu.memref_slice %arg6[%dma_wait3A_89, %dma_wait3A_93] : memref<256x100xi32, #tpu.memory_space<vmem>> -> memref<1x100xi32, #tpu.memory_space<vmem>>
      %dma_wait3A_95 = tpu.memref_squeeze %dma_wait3A_94 : memref<1x100xi32, #tpu.memory_space<vmem>> -> memref<100xi32, #tpu.memory_space<vmem>>
      %dma_wait3A_96 = arith.constant 0 : i32
      %dma_wait3A_97 = arith.constant 0 : i32
      %dma_wait3A_98 = tpu.memref_slice %arg4[%dma_wait3A_96, %dma_wait3A_97] : memref<100000x64xf32, #tpu.memory_space<hbm>> -> memref<100000x64xf32, #tpu.memory_space<hbm>>
      tpu.wait_indirect_dma semaphore(%arg11 : memref<!tpu.dma_semaphore, #tpu.memory_space<semaphore_mem>>) src(%dma_wait3A_98 : memref<100000x64xf32, #tpu.memory_space<hbm>>) dst(%dma_wait3A_92 : memref<100x64xf32, #tpu.memory_space<vmem>>)
      %dma_wait3A_99 = arith.constant 1 : i32
      %dma_wait3A_100 = arith.constant 100 : i32
      %dma_wait3A_101 = arith.constant 0 : i32
      %dma_wait3A_102 = tpu.memref_slice %arg9[%dma_wait3A_100, %dma_wait3A_101] : memref<200x64xf32, #tpu.memory_space<vmem>> -> memref<100x64xf32, #tpu.memory_space<vmem>>
      %dma_wait3A_103 = arith.constant 0 : i32
      %dma_wait3A_104 = tpu.memref_slice %arg6[%dma_wait3A_99, %dma_wait3A_103] : memref<256x100xi32, #tpu.memory_space<vmem>> -> memref<1x100xi32, #tpu.memory_space<vmem>>
      %dma_wait3A_105 = tpu.memref_squeeze %dma_wait3A_104 : memref<1x100xi32, #tpu.memory_space<vmem>> -> memref<100xi32, #tpu.memory_space<vmem>>
      %dma_wait3A_106 = arith.constant 0 : i32
      %dma_wait3A_107 = arith.constant 0 : i32
      %dma_wait3A_108 = tpu.memref_slice %arg4[%dma_wait3A_106, %dma_wait3A_107] : memref<100000x64xf32, #tpu.memory_space<hbm>> -> memref<100000x64xf32, #tpu.memory_space<hbm>>
      tpu.wait_indirect_dma semaphore(%arg11 : memref<!tpu.dma_semaphore, #tpu.memory_space<semaphore_mem>>) src(%dma_wait3A_108 : memref<100000x64xf32, #tpu.memory_space<hbm>>) dst(%dma_wait3A_102 : memref<100x64xf32, #tpu.memory_space<vmem>>)
      %parallel_loop3A_109 = arith.constant 0 : i32
      %parallel_loop3A_110 = arith.constant 200 : i32
      %parallel_loop3A_111 = arith.constant 1 : i32
      scf.for %parallel_loop3A_119 = %parallel_loop3A_109 to %parallel_loop3A_110 step %parallel_loop3A_111  : i32 {
        %parallel_loop3A_120 = arith.index_cast %parallel_loop3A_119 : i32 to index
        %parallel_loop3A_121 = arith.constant 0 : index
        %parallel_loop3A_122 = tpu.vector_load %arg7[%parallel_loop3A_120, %parallel_loop3A_121] {strides = array<i32>} : memref<200x64xf32, #tpu.memory_space<vmem>>, vector<1x16xf32>,
        %parallel_loop3A_123 = vector.shape_cast %parallel_loop3A_122 : vector<1x16xf32> to vector<16xf32>
        %parallel_loop3A_124 = arith.index_cast %parallel_loop3A_119 : i32 to index
        %parallel_loop3A_125 = arith.constant 0 : index
        %parallel_loop3A_126 = tpu.vector_load %arg9[%parallel_loop3A_124, %parallel_loop3A_125] {strides = array<i32>} : memref<200x64xf32, #tpu.memory_space<vmem>>, vector<1x16xf32>,
        %parallel_loop3A_127 = vector.shape_cast %parallel_loop3A_126 : vector<1x16xf32> to vector<16xf32>
        %parallel_loop3A_128 = vector.shape_cast %parallel_loop3A_123 : vector<16xf32> to vector<1x16xf32>
        tpu.vector_store %arg9[%parallel_loop3A_124, %parallel_loop3A_125], %parallel_loop3A_128 {add = true, strides = array<i32>} : memref<200x64xf32, #tpu.memory_space<vmem>>, vector<1x16xf32>,
        %parallel_loop3A_129 = arith.index_cast %parallel_loop3A_119 : i32 to index
        %parallel_loop3A_130 = arith.constant 16 : index
        %parallel_loop3A_131 = tpu.vector_load %arg7[%parallel_loop3A_129, %parallel_loop3A_130] {strides = array<i32>} : memref<200x64xf32, #tpu.memory_space<vmem>>, vector<1x16xf32>,
        %parallel_loop3A_132 = vector.shape_cast %parallel_loop3A_131 : vector<1x16xf32> to vector<16xf32>
        %parallel_loop3A_133 = arith.index_cast %parallel_loop3A_119 : i32 to index
        %parallel_loop3A_134 = arith.constant 16 : index
        %parallel_loop3A_135 = tpu.vector_load %arg9[%parallel_loop3A_133, %parallel_loop3A_134] {strides = array<i32>} : memref<200x64xf32, #tpu.memory_space<vmem>>, vector<1x16xf32>,
        %parallel_loop3A_136 = vector.shape_cast %parallel_loop3A_135 : vector<1x16xf32> to vector<16xf32>
        %parallel_loop3A_137 = vector.shape_cast %parallel_loop3A_132 : vector<16xf32> to vector<1x16xf32>
        tpu.vector_store %arg9[%parallel_loop3A_133, %parallel_loop3A_134], %parallel_loop3A_137 {add = true, strides = array<i32>} : memref<200x64xf32, #tpu.memory_space<vmem>>, vector<1x16xf32>,
        %parallel_loop3A_138 = arith.index_cast %parallel_loop3A_119 : i32 to index
        %parallel_loop3A_139 = arith.constant 32 : index
        %parallel_loop3A_140 = tpu.vector_load %arg7[%parallel_loop3A_138, %parallel_loop3A_139] {strides = array<i32>} : memref<200x64xf32, #tpu.memory_space<vmem>>, vector<1x16xf32>,
        %parallel_loop3A_141 = vector.shape_cast %parallel_loop3A_140 : vector<1x16xf32> to vector<16xf32>
        %parallel_loop3A_142 = arith.index_cast %parallel_loop3A_119 : i32 to index
        %parallel_loop3A_143 = arith.constant 32 : index
        %parallel_loop3A_144 = tpu.vector_load %arg9[%parallel_loop3A_142, %parallel_loop3A_143] {strides = array<i32>} : memref<200x64xf32, #tpu.memory_space<vmem>>, vector<1x16xf32>,
        %parallel_loop3A_145 = vector.shape_cast %parallel_loop3A_144 : vector<1x16xf32> to vector<16xf32>
        %parallel_loop3A_146 = vector.shape_cast %parallel_loop3A_141 : vector<16xf32> to vector<1x16xf32>
        tpu.vector_store %arg9[%parallel_loop3A_142, %parallel_loop3A_143], %parallel_loop3A_146 {add = true, strides = array<i32>} : memref<200x64xf32, #tpu.memory_space<vmem>>, vector<1x16xf32>,
        %parallel_loop3A_147 = arith.index_cast %parallel_loop3A_119 : i32 to index
        %parallel_loop3A_148 = arith.constant 48 : index
        %parallel_loop3A_149 = tpu.vector_load %arg7[%parallel_loop3A_147, %parallel_loop3A_148] {strides = array<i32>} : memref<200x64xf32, #tpu.memory_space<vmem>>, vector<1x16xf32>,
        %parallel_loop3A_150 = vector.shape_cast %parallel_loop3A_149 : vector<1x16xf32> to vector<16xf32>
        %parallel_loop3A_151 = arith.index_cast %parallel_loop3A_119 : i32 to index
        %parallel_loop3A_152 = arith.constant 48 : index
        %parallel_loop3A_153 = tpu.vector_load %arg9[%parallel_loop3A_151, %parallel_loop3A_152] {strides = array<i32>} : memref<200x64xf32, #tpu.memory_space<vmem>>, vector<1x16xf32>,
        %parallel_loop3A_154 = vector.shape_cast %parallel_loop3A_153 : vector<1x16xf32> to vector<16xf32>
        %parallel_loop3A_155 = vector.shape_cast %parallel_loop3A_150 : vector<16xf32> to vector<1x16xf32>
        tpu.vector_store %arg9[%parallel_loop3A_151, %parallel_loop3A_152], %parallel_loop3A_155 {add = true, strides = array<i32>} : memref<200x64xf32, #tpu.memory_space<vmem>>, vector<1x16xf32>,
      } {sc.loop_unroll_factor = 8 : i64, sc.parallel_access}
      %add3A_112 = arith.addi %mul3A_6, %add3A_81 : i32
      %mul3A_113 = arith.constant 200 : i32
      %mul3A_114 = arith.muli %add3A_112, %mul3A_113 : i32
      %dma_start3A_115 = arith.constant 0 : i32
      %dma_start3A_116 = tpu.memref_slice %arg5[%mul3A_114, %dma_start3A_115] : memref<819200x64xf32, #tpu.memory_space<hbm>> -> memref<200x64xf32, #tpu.memory_space<hbm>>
      %dma_start3A_117 = arith.constant 0 : i32
      %dma_start3A_118 = tpu.memref_slice %arg5[%mul3A_114, %dma_start3A_117] : memref<819200x64xf32, #tpu.memory_space<hbm>> -> memref<200x64xf32, #tpu.memory_space<hbm>>
      tpu.enqueue_dma source(%arg9 : memref<200x64xf32, #tpu.memory_space<vmem>>) target(%dma_start3A_118 : memref<200x64xf32, #tpu.memory_space<hbm>>) target_semaphore(%arg13 : memref<!tpu.dma_semaphore, #tpu.memory_space<semaphore_mem>>)
    }
    %scan3A_30 = arith.constant 64 : i32
    %dma_wait3A = arith.constant 0 : i32
    %dma_wait3A_31 = arith.constant 0 : i32
    %dma_wait3A_32 = tpu.memref_slice %arg5[%dma_wait3A, %dma_wait3A_31] : memref<819200x64xf32, #tpu.memory_space<hbm>> -> memref<200x64xf32, #tpu.memory_space<hbm>>
    %dma_wait3A_33 = arith.constant 0 : i32
    %dma_wait3A_34 = arith.constant 0 : i32
    %dma_wait3A_35 = tpu.memref_slice %arg5[%dma_wait3A_33, %dma_wait3A_34] : memref<819200x64xf32, #tpu.memory_space<hbm>> -> memref<200x64xf32, #tpu.memory_space<hbm>>
    tpu.wait_dma2 semaphore(%arg12 : memref<!tpu.dma_semaphore, #tpu.memory_space<semaphore_mem>>) src(%arg8 : memref<200x64xf32, #tpu.memory_space<vmem>>) dst(%dma_wait3A_35 : memref<200x64xf32, #tpu.memory_space<hbm>>)
    %dma_wait3A_36 = arith.constant 0 : i32
    %dma_wait3A_37 = arith.constant 0 : i32
    %dma_wait3A_38 = tpu.memref_slice %arg5[%dma_wait3A_36, %dma_wait3A_37] : memref<819200x64xf32, #tpu.memory_space<hbm>> -> memref<200x64xf32, #tpu.memory_space<hbm>>
    %dma_wait3A_39 = arith.constant 0 : i32
    %dma_wait3A_40 = arith.constant 0 : i32
    %dma_wait3A_41 = tpu.memref_slice %arg5[%dma_wait3A_39, %dma_wait3A_40] : memref<819200x64xf32, #tpu.memory_space<hbm>> -> memref<200x64xf32, #tpu.memory_space<hbm>>
    tpu.wait_dma2 semaphore(%arg13 : memref<!tpu.dma_semaphore, #tpu.memory_space<semaphore_mem>>) src(%arg9 : memref<200x64xf32, #tpu.memory_space<vmem>>) dst(%dma_wait3A_41 : memref<200x64xf32, #tpu.memory_space<hbm>>)
    return
  }
}

</mosaic_0001>

<sc_bundles>
// kernel: kernel.3.cloned.1.call-start
scs
__scs_entry_jumppad:
0x0: {  	(pc) =	sbr.rel $0x88, $3  }
0x1: {  	(tag) =	ssettag $0x0;
	lr =	simm.s32 $0x1  }
0x2: {  	[smem:$0x3F9F] =	sst lr;
	_ =	strace $0xD0000000  }
0x3: {  	_ = 	snop  }
0x4: {  	_ = 	snop  }
0x5: {  	_ = 	snop  }
0x6: {  	_ = 	snop  }
0x7: {  	_ = 	snop  }
__scs_overlays_trampoline_lowered:
0x8: {  	[smem:$0x3FAE] =	sst s0  }
0x9: {  	[smem:$0x3FAF] =	sst s1  }
0xa: {  	[smem:$0x3FB0] =	sst s2  }
0xb: {  	[smem:$0x3FB1] =	sst s3  }
0xc: {  	[smem:$0x3FB2] =	sst s4  }
0xd: {  	[smem:$0x3FB3] =	sst s5  }
0xe: {  	[smem:$0x3FB4] =	sst s6  }
0xf: {  	[smem:$0x3FB5] =	sst s7  }
0x10: {  	[smem:$0x3FB6] =	sst s8  }
0x11: {  	[smem:$0x3FB7] =	sst s9;
	s0 =	simm.s32 @!p0 $0x0  }
0x12: {  	s1 =	sld [smem:$0x3F9D];
	s0 =	simm.s32 @p0 $0x1  }
0x13: {  	[smem:$0x3FB8] =	sst s0;
	s0 =	simm.s32 @!p1 $0x0  }
0x14: {  	s2 =	sld [smem:$0x3F9C];
	s0 =	simm.s32 @p1 $0x1  }
0x15: {  	[smem:$0x3FB9] =	sst s0;
	s0 =	simm.s32 @!p2 $0x0  }
0x16: {  	s3 =	sld [smem:$0x3FDB];
	s0 =	simm.s32 @p2 $0x1  }
0x17: {  	s4 =	simm.s32 $0x1BF5;
	[smem:$0x3FBB] =	sst s0  }
0x18: {  	s0 =	sld [smem:$0x3F9E];
	_ =	swait.ge [sflag:s4], $0x0  }
0x19: {  	s7 =	sld [smem:$0x3F9F]  }
0x1a: {  	s8 =	sadd.s32 $0xFFFFE003, lr  }
0x1b: {  	s9 =	sadd.s32 $0xFFFFFEF7, lr;
	s5 =	simm.s32 $0xFFFFFFFF;
	p2 =	slt.u32 s8, $0xFFFFF086  }
0x1c: {  	p1 =	slt.u32 s9, $0xF7A;
	s5 =	simm.s32 @!p2 $0x0  }
0x1d: {  	s5 =	simm.s32 @p1 $0x1;
	p0 =	seq.s32 s7, s2  }
0x1e: {  	s7 =	smul.u32 @!p0 $0xF7A, s2;
	p2 =	seq.s32 @!p0 s5, $0x0  }
0x1f: {  	s9 =	smul.u32 $0xF7A, s1;
	s8 =	simm.s32 @!p0 $0x1BF5;
	p2 =	por !p2, p0  }
0x20: {  	[sflag:s8] =	ssyncset.s32 @!p0 $0xFFFFF086;
	s6 =	sadd.s32 @!p0 s3, s7;
	s7 =	simm.s32 @!p0 $0x108  }
0x21: {  	s3 =	sadd.s32 s3, s9;
	s6 =	sadd.s32 @!p0 $0x88, s6;
	s7 =	simm.s32 @p2 $0x1082  }
0x22: {  	[simem:s7], [sflag:s8] =	dma.local @!p0 [hbm:s6], $0xF7A  }
0x23: {  	s9 =	sor.u32 $0xD0000000, s2;
	s6 =	simm.s32 $0x108;
	_ =	swait.ge @!p0 [sflag:s8], $0x0  }
0x24: {  	s3 =	sadd.s32 $0x88, s3;
	s6 =	simm.s32 @!p1 $0x1082;
	[sflag:s4] =	ssyncset.s32 $0xFFFFF086  }
0x25: {  	[simem:s6], [sflag:s4] =	dma.local [hbm:s3], $0xF7A  }
0x26: {  	[smem:$0x3F9F] =	sst s1;
	(tag) =	ssettag s2;
	_ =	strace s9  }
0x27: {  	s1 =	sld [smem:$0x3FAF]  }
0x28: {  	s2 =	sld [smem:$0x3FB0]  }
0x29: {  	s4 =	sld [smem:$0x3FB2]  }
0x2a: {  	p0 =	seq.s32 s5, $0x0;
	s5 =	sld [smem:$0x3FB3]  }
0x2b: {  	s6 =	sld [smem:$0x3FB4]  }
0x2c: {  	s7 =	sld [smem:$0x3FB5]  }
0x2d: {  	s3 =	simm.s32 $0x108;
	s8 =	sld [smem:$0x3FB6]  }
0x2e: {  	s3 =	simm.s32 @!p0 $0x1082;
	s9 =	sld [smem:$0x3FB7]  }
0x2f: {  	lr =	sadd.s32 s0, s3;
	s0 =	sld [smem:$0x3FAE]  }
0x30: {  	s3 =	sld [smem:$0x3FB1]  }
0x31: {  	[smem:$0x3FBA] =	sst s10  }
0x32: {  	s10 =	sld [smem:$0x3FB8];
	_ =	sdelay $0x3  }
0x33: {  	p0 =	seq.s32 s10, $0x1;
	s10 =	sld [smem:$0x3FBA];
	_ =	sdelay $0x3  }
0x34: {  	[smem:$0x3FBA] =	sst s10  }
0x35: {  	s10 =	sld [smem:$0x3FB9];
	_ =	sdelay $0x3  }
0x36: {  	p1 =	seq.s32 s10, $0x1;
	s10 =	sld [smem:$0x3FBA];
	_ =	sdelay $0x3  }
0x37: {  	[smem:$0x3FBA] =	sst s10  }
0x38: {  	s10 =	sld [smem:$0x3FBB]  }
0x39: {  	_ = 	snop;
	(pc) =	sbr.ind lr, $3  }
0x3a: {  	_ = 	snop  }
0x3b: {  	_ = 	snop  }
0x3c: {  	p2 =	seq.s32 s10, $0x1;
	s10 =	sld [smem:$0x3FBA]  }
0x3d: {  	_ =	shalt  }
0x3e: {  	_ =	shalt  }
0x3f: {  	_ =	shalt  }
0x40: {  	_ =	shalt  }
0x41: {  	_ =	shalt  }
0x42: {  	_ =	shalt  }
0x43: {  	_ =	shalt  }
0x44: {  	_ =	shalt  }
0x45: {  	_ =	shalt  }
0x46: {  	_ =	shalt  }
0x47: {  	_ =	shalt  }
0x48: {  	_ =	shalt  }
0x49: {  	_ =	shalt  }
0x4a: {  	_ =	shalt  }
0x4b: {  	_ =	shalt  }
0x4c: {  	_ =	shalt  }
0x4d: {  	_ =	shalt  }
0x4e: {  	_ =	shalt  }
0x4f: {  	_ =	shalt  }
0x50: {  	_ =	shalt  }
0x51: {  	_ =	shalt  }
0x52: {  	_ =	shalt  }
0x53: {  	_ =	shalt  }
0x54: {  	_ =	shalt  }
0x55: {  	_ =	shalt  }
0x56: {  	_ =	shalt  }
0x57: {  	_ =	shalt  }
0x58: {  	_ =	shalt  }
0x59: {  	_ =	shalt  }
0x5a: {  	_ =	shalt  }
0x5b: {  	_ =	shalt  }
0x5c: {  	_ =	shalt  }
0x5d: {  	_ =	shalt  }
0x5e: {  	_ =	shalt  }
0x5f: {  	_ =	shalt  }
0x60: {  	_ =	shalt  }
0x61: {  	_ =	shalt  }
0x62: {  	_ =	shalt  }
0x63: {  	_ =	shalt  }
0x64: {  	_ =	shalt  }
0x65: {  	_ =	shalt  }
0x66: {  	_ =	shalt  }
0x67: {  	_ =	shalt  }
0x68: {  	_ =	shalt  }
0x69: {  	_ =	shalt  }
0x6a: {  	_ =	shalt  }
0x6b: {  	_ =	shalt  }
0x6c: {  	_ =	shalt  }
0x6d: {  	_ =	shalt  }
0x6e: {  	_ =	shalt  }
0x6f: {  	_ =	shalt  }
0x70: {  	_ =	shalt  }
0x71: {  	_ =	shalt  }
0x72: {  	_ =	shalt  }
0x73: {  	_ =	shalt  }
0x74: {  	_ =	shalt  }
0x75: {  	_ =	shalt  }
0x76: {  	_ =	shalt  }
0x77: {  	_ =	shalt  }
0x78: {  	_ =	shalt  }
0x79: {  	_ =	shalt  }
0x7a: {  	_ =	shalt  }
0x7b: {  	_ =	shalt  }
0x7c: {  	_ =	shalt  }
0x7d: {  	_ =	shalt  }
0x7e: {  	_ =	shalt  }
0x7f: {  	_ =	shalt  }
0x80: {  	_ =	shalt  }
0x81: {  	_ =	shalt  }
0x82: {  	_ =	shalt  }
0x83: {  	_ =	shalt  }
0x84: {  	_ =	shalt  }
0x85: {  	_ =	shalt  }
0x86: {  	_ =	shalt  }
0x87: {  	_ =	shalt  }
.Lfunc_end0:
.L_simem_size_0:
called_computation.1_lowered:
.L_overlay_start_0:
0x88: {  	s2 =	sld [smem:$0x3FD9]  }
0x89: {  	s3 =	sld [smem:$0x3FFE];
	_ =	sdelay $0x1  }
0x8a: {  	s1 =	srdreg.scid  }
0x8b: {  	s0 =	sand.u32 $0x1, s1  }
0x8c: {  	s17 =	sshll.u32 s0, $0xA;
	s2 =	sadd.s32 s3, s2  }
0x8d: {  	s2 =	sadd.s32 s2, s17  }
0x8e: {  	[smem:$0x3FC6] =	sst s2  }
0x8f: {  	_ = 	snop  }
0x90: {  	s2 =	sld [smem:$0x3FD0];
	(tm) =	ssettm $0x1  }
0x91: {  	s18 =	sld [smem:$0x3FFB];
	_ =	sdelay $0x3  }
0x92: {  	_ =	strace s18  }
0x93: {  	s3 =	sld [smem:$0x3FFC];
	_ =	sdelay $0x3  }
0x94: {  	_ =	strace s3  }
0x95: {  	s3 =	sld [smem:$0x3FFD];
	_ =	sdelay $0x3  }
0x96: {  	_ =	strace s3  }
0x97: {  	_ =	strace $0x8FFFFFFF  }
0x98: {  	s19 =	sld [smem:$0x3FDB];
	_ =	sdelay $0x1  }
0x99: {  	s4 =	simm.s32 $_scs_section_size  }
0x9a: {  	s5 =	simm.s32 $_size__tile_overlayer_lowered;
	s6 =	simm.s32 $_tile_overlayer_lowered  }
0x9b: {  	s22 =	simm.s32 $0x1BFF;
	s21 =	sshll.u32 s6, $0x1;
	s3 =	sadd.s32 s4, s19  }
0x9c: {  	s7 =	simm.s32 $0x0;
	s20 =	sshll.u32 s5, $0x1;
	s5 =	sadd.s32 s21, s3  }
0x9d: {  	[timem:s7], [sflag:s22] =	dma.local [hbm:s5], s20  }
0x9e: {  	_ =	swait.ge [sflag:s22], s20  }
0x9f: {  	s4 =	ssub.s32 $0x0, s20;
	[sflag:s22] =	ssyncset.done $0x0  }
0xa0: {  	[sflag:s22] =	ssyncadd.s32 s4;
	_ =	sdelay $0x1  }
0xa1: {  	s23 =	simm.s32 $0x1B8B  }
0xa2: {  	_ =	swait.ge [sflag:s23], $0x1  }
0xa3: {  	[sflag:s23] =	ssyncset.done $0x0  }
0xa4: {  	s25 =	simm.s32 $0x1B8E;
	s24 =	sld [smem:$0x3FFE];
	[sflag:s23] =	ssyncadd.s32 $0xFFFFFFFF  }
0xa5: {  	s26 =	simm.s32 $execute0_lowered;
	[smem:$0x3FD2] =	sst s25  }
0xa6: {  	s5 =	sshll.u32 s26, $0x1;
	_ =	strace $0x80000046;
	[dreg:$0x1] =	wrdreg $0xFFFFFFFF  }
0xa7: {  	s28 =	simm.s32 $_size_execute0_lowered;
	s3 =	sadd.s32 s3, s5;
	[dreg:$0x0] =	wrdreg $0x0  }
0xa8: {  	s5 =	sshll.u32 s28, $0x1;
	[dreg:$0x2] =	wrdreg s3  }
0xa9: {  	[dreg:$0x3] =	wrdreg s5  }
0xaa: {  	[dreg:$0x4] =	wrdreg $0xC0  }
0xab: {  	_ =	task [dreg:s7], $0x5FFFF  }
0xac: {  	[dreg:$0x1] =	wrdreg $0xFFFFFFFF  }
0xad: {  	[dreg:$0x0] =	wrdreg $0x60  }
0xae: {  	[dreg:$0x2] =	wrdreg s24  }
0xaf: {  	[dreg:$0x3] =	wrdreg s2  }
0xb0: {  	[dreg:$0x4] =	wrdreg $0x9  }
0xb1: {  	_ =	task.clear_ibuf [dreg:s7], $0x5FFFF;
	_ =	strace $0x90000046  }
0xb2: {  	s29 =	simm.s32 $0x9;
	_ =	strace $0x80000048  }
0xb3: {  	_ =	swait.ge [sflag:s29], $0x1  }
0xb4: {  	[sflag:s29] =	ssyncadd.s32 $0xFFFFFFFF  }
0xb5: {  	_ =	strace $0x90000048  }
0xb6: {  	_ =	sfence  }
0xb7: {  	s30 =	sld [smem:$0x0];
	_ =	sdelay $0x2  }
0xb8: {  	s31 =	sshll.u32 s1, $0xD;
	s1 =	sshrl.u32 s1, $0x2  }
0xb9: {  	s3 =	sand.u32 $0x4000, s31;
	s1 =	sadd.s32 s1, s30  }
0xba: {  	s0 =	sor.u32 s3, s0;
	s1 =	sshll.u32 s1, $0x11  }
0xbb: {  	s0 =	sor.u32 s1, s0  }
0xbc: {  	s0 =	sadd.s32 $0x8F2B, s0  }
0xbd: {  	[sflag:s0] =	ssyncadd.remote.s32 $0x1  }
0xbe: {  	_ =	sfence.sel $0xFFFF  }
0xbf: {  	[dreg:$0x0] =	wrdreg $0xFFFFFFFF;
	(pc) =	sbr.abs _section_cstart, $3  }
0xc0: {  	[dreg:$0x1] =	wrdreg $0xFFFFFFFF  }
0xc1: {  	_ =	task.clear_ibuf [dreg:s7], $0x2FFFF;
	_ =	strace $0x9FFFFFFF  }
0xc2: {  	(tm) =	ssettm $0x7FFFFFFF  }
0xc3: {  	_ =	shalt  }
tec
execute0_lowered:
.L_overlay_start_1:
0x0: {  	(tag) =	ssettag $0x1  }
0x1: {  	s5 =	rddreg [dreg:$0x0];
	s1 =	srdreg.scid  }
0x2: {  	s0 =	stileid.u32;
	s2 =	rddreg [dreg:$0x1]  }
0x3: {  	s3 =	simm.s32 $0x0;
	s10 =	simm.s32 $0x6800;
	s11 =	simm.s32 $0x64  }
0x4: {  	s12 =	simm.s32 $0x9A00;
	s13 =	simm.s32 $0x68;
	s14 =	simm.s32 $0xB300  }
0x5: {  	s15 =	simm.s32 $0xCC00;
	s16 =	simm.s32 $0xE500;
	s17 =	simm.s32 $0x1  }
0x6: {  	s18 =	simm.s32 $0x2;
	s19 =	simm.s32 $0x3;
	s20 =	simm.s32 $0x4  }
0x7: {  	s4 =	sand.u32 $0x1, s1;
	s6 =	sshll.u32 s0, $0x1;
	s1 =	rddreg [dreg:$0x2]  }
0x8: {  	s21 =	simm.s32 $0x0;
	[smem:$0x7FF] =	sst s3;
	s7 =	sor.u32 s4, s6  }
0x9: {  	_ =	strace $0x80000047;
	s8 =	ssub.s32 $0x2, s4;
	s6 =	smul.u32 $0xD00, s7  }
0xa: {  	s4 =	sadd.s32 $0xA00, s5;
	s9 =	sshrl.u32 s8, $0x1;
	s7 =	sshll.u32 s7, $0x7  }
0xb: {  	s8 =	ssub.s32 s8, s9;
	s9 =	simm.s32 $0x5;
	s6 =	sadd.s32 s6, s5  }
0xc: {  	s5 =	sadd.s32 $0x1B200, s5;
	s8 =	smax.u32 s8, $0x1;
	s6 =	sadd.s32 $0x1200, s6  }
.LBB2_1:
0xd: {  	[tilespmem:s3], [sflag:$0x5] =	stream.linear.gather [hbm4b:s6+s3], $0x6800, $0x38;
	[tilespmem:$0xFE00] =	vst v63  }
0xe: {  	_ =	swait.ge [sflag:s9], $0x6800  }
0xf: {  	[sflag:s9] =	ssyncset.done $0x0  }
0x10: {  	[sflag:s9] =	ssyncadd.s32 $0xFFFF9800  }
0x11: {  	[tilespmem:s10], [sflag:$0x5] =	stream.linear.gather [hbm4b:s4+s3], $0x3200, $0x38;
	[tilespmem:$0xFE00] =	vst v63  }
0x12: {  	_ =	swait.ge [sflag:s9], $0x3200  }
0x13: {  	[sflag:s9] =	ssyncset.done $0x0  }
0x14: {  	[sflag:s9] =	ssyncadd.s32 $0xFFFFCE00  }
0x15: {  	[tilespmem:s12], [sflag:$0x1] =	stream.indirect.gather [hbm4b:s5+s11], $0x40, s3, s11, $0xb8;
	[tilespmem:$0xFE00] =	vst v63  }
0x16: {  	s22 =	simm.s32 $0x0  }
0x17: {  	[tilespmem:s14], [sflag:$0x1] =	stream.indirect.gather [hbm4b:s5+s11], $0x40, s13, s11, $0xb8;
	[tilespmem:$0xFE00] =	vst v63  }
.LBB2_2:
0x18: {  	p0 =	seq.s32 s22, $0x0  }
0x19: {  	s23 =	sshllo.u32 s22, $0x1;
	s24 =	simm.s32 @!p0 $0x4  }
0x1a: {  	s25 =	smul.u32 $0x340, s23;
	_ =	swait.ge @!p0 [sflag:s24], $0x3200  }
0x1b: {  	[sflag:s24] =	ssyncset.done @!p0 $0x0  }
0x1c: {  	s31 =	sshra.s32 s25, $0x2;
	[sflag:s24] =	ssyncadd.s32 @!p0 $0xFFFFCE00  }
0x1d: {  	[tilespmem:s15], [sflag:$0x2] =	stream.indirect.gather [hbm4b:s5+s11], $0x40, s31, s11, $0xb8;
	[tilespmem:$0xFE00] =	vst v63  }
0x1e: {  	s24 =	sadd.s32 $0x68, s31  }
0x1f: {  	[tilespmem:s16], [sflag:$0x2] =	stream.indirect.gather [hbm4b:s5+s11], $0x40, s24, s11, $0xb8;
	[tilespmem:$0xFE00] =	vst v63  }
0x20: {  	_ =	swait.ge [sflag:s17], $0x1900  }
0x21: {  	[sflag:s17] =	ssyncset.done $0x0  }
0x22: {  	[sflag:s17] =	ssyncadd.s32 $0xFFFFE700  }
0x23: {  	_ =	swait.ge [sflag:s17], $0x1900  }
0x24: {  	[sflag:s17] =	ssyncset.done $0x0  }
0x25: {  	s24 =	simm.s32 $0x0;
	[sflag:s17] =	ssyncadd.s32 $0xFFFFE700  }
0x26: {  	v0 =	vld [tilespmem:s24+$0x69F0]  }
0x27: {  	v1 =	vld [tilespmem:s24+$0x6800]  }
0x28: {  	v2 =	vld [tilespmem:s24+$0x6810]  }
0x29: {  	v3 =	vld [tilespmem:s24+$0x6820]  }
0x2a: {  	v4 =	vld [tilespmem:s24+$0x6830]  }
0x2b: {  	v5 =	vld [tilespmem:s24+$0x6840]  }
0x2c: {  	v6 =	vld [tilespmem:s24+$0x6850]  }
0x2d: {  	v7 =	vld [tilespmem:s24+$0x6860]  }
0x2e: {  	v8 =	vld [tilespmem:s24+$0x6870]  }
0x2f: {  	v9 =	vld [tilespmem:s24+$0x6880]  }
0x30: {  	v10 =	vld [tilespmem:s24+$0x6890]  }
0x31: {  	v11 =	vld [tilespmem:s24+$0x68A0]  }
0x32: {  	v12 =	vld [tilespmem:s24+$0x68B0]  }
0x33: {  	v13 =	vld [tilespmem:s24+$0x68C0]  }
0x34: {  	v14 =	vld [tilespmem:s24+$0x68D0]  }
0x35: {  	v15 =	vld [tilespmem:s24+$0x68E0]  }
0x36: {  	v16 =	vld [tilespmem:s24+$0x68F0]  }
0x37: {  	v17 =	vld [tilespmem:s24+$0x6900]  }
0x38: {  	v18 =	vld [tilespmem:s24+$0x6910]  }
0x39: {  	v19 =	vld [tilespmem:s24+$0x6920]  }
0x3a: {  	v20 =	vld [tilespmem:s24+$0x6930]  }
0x3b: {  	v21 =	vld [tilespmem:s24+$0x6940]  }
0x3c: {  	v22 =	vld [tilespmem:s24+$0x6950]  }
0x3d: {  	v23 =	vld [tilespmem:s24+$0x6960]  }
0x3e: {  	v24 =	vld [tilespmem:s24+$0x6970]  }
0x3f: {  	v25 =	vld [tilespmem:s24+$0x6980]  }
0x40: {  	v26 =	vld [tilespmem:s24+$0x6990]  }
0x41: {  	v27 =	vld [tilespmem:s24+$0x69A0]  }
0x42: {  	v28 =	vld [tilespmem:s24+$0x69B0]  }
0x43: {  	v29 =	vld [tilespmem:s24+$0x69C0]  }
0x44: {  	v30 =	vld [tilespmem:s24+$0x69D0]  }
0x45: {  	[tilespmem:s24+$0x9BF0] =	vst.add.f32.msk $0xffff, v0  }
0x46: {  	v0 =	vld [tilespmem:s24+$0x69E0]  }
0x47: {  	[tilespmem:s24+$0x9A00] =	vst.add.f32.msk $0xffff, v1  }
0x48: {  	[tilespmem:s24+$0x9A10] =	vst.add.f32.msk $0xffff, v2  }
0x49: {  	[tilespmem:s24+$0x9A20] =	vst.add.f32.msk $0xffff, v3  }
0x4a: {  	[tilespmem:s24+$0x9A30] =	vst.add.f32.msk $0xffff, v4  }
0x4b: {  	[tilespmem:s24+$0x9A40] =	vst.add.f32.msk $0xffff, v5  }
0x4c: {  	[tilespmem:s24+$0x9A50] =	vst.add.f32.msk $0xffff, v6  }
0x4d: {  	[tilespmem:s24+$0x9A60] =	vst.add.f32.msk $0xffff, v7  }
0x4e: {  	[tilespmem:s24+$0x9A70] =	vst.add.f32.msk $0xffff, v8  }
0x4f: {  	[tilespmem:s24+$0x9A80] =	vst.add.f32.msk $0xffff, v9  }
0x50: {  	[tilespmem:s24+$0x9A90] =	vst.add.f32.msk $0xffff, v10  }
0x51: {  	[tilespmem:s24+$0x9AA0] =	vst.add.f32.msk $0xffff, v11  }
0x52: {  	[tilespmem:s24+$0x9AB0] =	vst.add.f32.msk $0xffff, v12  }
0x53: {  	[tilespmem:s24+$0x9AC0] =	vst.add.f32.msk $0xffff, v13  }
0x54: {  	[tilespmem:s24+$0x9AD0] =	vst.add.f32.msk $0xffff, v14  }
0x55: {  	[tilespmem:s24+$0x9AE0] =	vst.add.f32.msk $0xffff, v15  }
0x56: {  	[tilespmem:s24+$0x9AF0] =	vst.add.f32.msk $0xffff, v16  }
0x57: {  	[tilespmem:s24+$0x9B00] =	vst.add.f32.msk $0xffff, v17  }
0x58: {  	[tilespmem:s24+$0x9B10] =	vst.add.f32.msk $0xffff, v18  }
0x59: {  	[tilespmem:s24+$0x9B20] =	vst.add.f32.msk $0xffff, v19  }
0x5a: {  	[tilespmem:s24+$0x9B30] =	vst.add.f32.msk $0xffff, v20  }
0x5b: {  	[tilespmem:s24+$0x9B40] =	vst.add.f32.msk $0xffff, v21  }
0x5c: {  	[tilespmem:s24+$0x9B50] =	vst.add.f32.msk $0xffff, v22  }
0x5d: {  	[tilespmem:s24+$0x9B60] =	vst.add.f32.msk $0xffff, v23  }
0x5e: {  	[tilespmem:s24+$0x9B70] =	vst.add.f32.msk $0xffff, v24  }
0x5f: {  	[tilespmem:s24+$0x9B80] =	vst.add.f32.msk $0xffff, v25  }
0x60: {  	[tilespmem:s24+$0x9B90] =	vst.add.f32.msk $0xffff, v26  }
0x61: {  	[tilespmem:s24+$0x9BA0] =	vst.add.f32.msk $0xffff, v27  }
0x62: {  	[tilespmem:s24+$0x9BB0] =	vst.add.f32.msk $0xffff, v28  }
0x63: {  	[tilespmem:s24+$0x9BC0] =	vst.add.f32.msk $0xffff, v29  }
0x64: {  	s26 =	simm.s32 $0x0;
	s28 =	simm.s32 $0x800;
	s25 =	sshll.u32 s22, $0x1;
	[tilespmem:s24+$0x9BD0] =	vst.add.f32.msk $0xffff, v30  }
.LBB2_3:
0x65: {  	s26 =	sadd.s32 $0x8, s26;
	[tilespmem:s24+$0x9BE0] =	vst.add.f32.msk $0xffff, v0;
	s24 =	sshra.s32 s28, $0x2  }
0x66: {  	v0 =	vld [tilespmem:s24+$0x69F0];
	p0 =	slt.u32 s26, $0xC0  }
0x67: {  	v1 =	vld [tilespmem:s24+$0x6800]  }
0x68: {  	v2 =	vld [tilespmem:s24+$0x6810]  }
0x69: {  	v3 =	vld [tilespmem:s24+$0x6820]  }
0x6a: {  	v4 =	vld [tilespmem:s24+$0x6830]  }
0x6b: {  	[tilespmem:s24+$0x9BF0] =	vst.add.f32.msk $0xffff, v0  }
0x6c: {  	v5 =	vld [tilespmem:s24+$0x6840]  }
0x6d: {  	v6 =	vld [tilespmem:s24+$0x6850]  }
0x6e: {  	v7 =	vld [tilespmem:s24+$0x6860]  }
0x6f: {  	v8 =	vld [tilespmem:s24+$0x6870]  }
0x70: {  	v9 =	vld [tilespmem:s24+$0x6880]  }
0x71: {  	v10 =	vld [tilespmem:s24+$0x6890]  }
0x72: {  	v11 =	vld [tilespmem:s24+$0x68A0]  }
0x73: {  	v12 =	vld [tilespmem:s24+$0x68B0]  }
0x74: {  	v13 =	vld [tilespmem:s24+$0x68C0]  }
0x75: {  	v14 =	vld [tilespmem:s24+$0x68D0]  }
0x76: {  	v15 =	vld [tilespmem:s24+$0x68E0]  }
0x77: {  	v16 =	vld [tilespmem:s24+$0x68F0]  }
0x78: {  	v17 =	vld [tilespmem:s24+$0x6900]  }
0x79: {  	v18 =	vld [tilespmem:s24+$0x6910]  }
0x7a: {  	v19 =	vld [tilespmem:s24+$0x6920]  }
0x7b: {  	v20 =	vld [tilespmem:s24+$0x6930]  }
0x7c: {  	v21 =	vld [tilespmem:s24+$0x6940]  }
0x7d: {  	v22 =	vld [tilespmem:s24+$0x6950]  }
0x7e: {  	v23 =	vld [tilespmem:s24+$0x6960]  }
0x7f: {  	v24 =	vld [tilespmem:s24+$0x6970]  }
0x80: {  	v25 =	vld [tilespmem:s24+$0x6980]  }
0x81: {  	v26 =	vld [tilespmem:s24+$0x6990]  }
0x82: {  	v27 =	vld [tilespmem:s24+$0x69A0]  }
0x83: {  	v28 =	vld [tilespmem:s24+$0x69B0]  }
0x84: {  	v29 =	vld [tilespmem:s24+$0x69C0]  }
0x85: {  	v30 =	vld [tilespmem:s24+$0x69D0]  }
0x86: {  	v0 =	vld [tilespmem:s24+$0x69E0]  }
0x87: {  	[tilespmem:s24+$0x9A00] =	vst.add.f32.msk $0xffff, v1  }
0x88: {  	[tilespmem:s24+$0x9A10] =	vst.add.f32.msk $0xffff, v2  }
0x89: {  	[tilespmem:s24+$0x9A20] =	vst.add.f32.msk $0xffff, v3  }
0x8a: {  	[tilespmem:s24+$0x9A30] =	vst.add.f32.msk $0xffff, v4  }
0x8b: {  	[tilespmem:s24+$0x9A40] =	vst.add.f32.msk $0xffff, v5  }
0x8c: {  	[tilespmem:s24+$0x9A50] =	vst.add.f32.msk $0xffff, v6  }
0x8d: {  	[tilespmem:s24+$0x9A60] =	vst.add.f32.msk $0xffff, v7  }
0x8e: {  	[tilespmem:s24+$0x9A70] =	vst.add.f32.msk $0xffff, v8  }
0x8f: {  	[tilespmem:s24+$0x9A80] =	vst.add.f32.msk $0xffff, v9  }
0x90: {  	[tilespmem:s24+$0x9A90] =	vst.add.f32.msk $0xffff, v10  }
0x91: {  	[tilespmem:s24+$0x9AA0] =	vst.add.f32.msk $0xffff, v11  }
0x92: {  	[tilespmem:s24+$0x9AB0] =	vst.add.f32.msk $0xffff, v12  }
0x93: {  	[tilespmem:s24+$0x9AC0] =	vst.add.f32.msk $0xffff, v13  }
0x94: {  	[tilespmem:s24+$0x9AD0] =	vst.add.f32.msk $0xffff, v14  }
0x95: {  	[tilespmem:s24+$0x9AE0] =	vst.add.f32.msk $0xffff, v15  }
0x96: {  	[tilespmem:s24+$0x9AF0] =	vst.add.f32.msk $0xffff, v16  }
0x97: {  	[tilespmem:s24+$0x9B00] =	vst.add.f32.msk $0xffff, v17  }
0x98: {  	[tilespmem:s24+$0x9B10] =	vst.add.f32.msk $0xffff, v18  }
0x99: {  	[tilespmem:s24+$0x9B20] =	vst.add.f32.msk $0xffff, v19  }
0x9a: {  	[tilespmem:s24+$0x9B30] =	vst.add.f32.msk $0xffff, v20  }
0x9b: {  	[tilespmem:s24+$0x9B40] =	vst.add.f32.msk $0xffff, v21  }
0x9c: {  	[tilespmem:s24+$0x9B50] =	vst.add.f32.msk $0xffff, v22  }
0x9d: {  	[tilespmem:s24+$0x9B60] =	vst.add.f32.msk $0xffff, v23  }
0x9e: {  	[tilespmem:s24+$0x9B70] =	vst.add.f32.msk $0xffff, v24  }
0x9f: {  	[tilespmem:s24+$0x9B80] =	vst.add.f32.msk $0xffff, v25  }
.Ltmp0:
0xa0: {  	[tilespmem:s24+$0x9B90] =	vst.add.f32.msk $0xffff, v26;
	(pc) =	sbr.rel @p0 .LBB2_3-.Ltmp0, $4  }
0xa1: {  	[tilespmem:s24+$0x9BA0] =	vst.add.f32.msk $0xffff, v27  }
0xa2: {  	[tilespmem:s24+$0x9BB0] =	vst.add.f32.msk $0xffff, v28  }
0xa3: {  	[tilespmem:s24+$0x9BC0] =	vst.add.f32.msk $0xffff, v29  }
0xa4: {  	s28 =	sadd.s32 $0x800, s28;
	[tilespmem:s24+$0x9BD0] =	vst.add.f32.msk $0xffff, v30  }
0xa5: {  	s25 =	sadd.s32 s7, s25  }
0xa6: {  	s25 =	smul.u32 $0x640, s25  }
0xa7: {  	p0 =	seq.s32 s22, $0x3F  }
0xa8: {  	[tilespmem:s24+$0x9BE0] =	vst.add.f32.msk $0xffff, v0;
	s24 =	simm.s32 @!p0 $0x3;
	s31 =	sadd.s32 s2, s25  }
0xa9: {  	[hbm4b:s31+s3] =	stream.linear.scatter [tilespmem:s12], [sflag:$0x3], $0x3200, $0x38;
	[tilespmem:$0xFE00] =	vst v63  }
0xaa: {  	s25 =	smul.u32 @!p0 $0x680, s22;
	_ =	swait.ge @!p0 [sflag:s24], $0x3200  }
0xab: {  	[sflag:s24] =	ssyncset.done @!p0 $0x0  }
0xac: {  	[sflag:s24] =	ssyncadd.s32 @!p0 $0xFFFFCE00;
	s24 =	sshra.s32 @!p0 s25, $0x2  }
0xad: {  	s26 =	simm.s32 @!p0 $0x64;
	s28 =	simm.s32 @!p0 $0x9A00;
	s25 =	sadd.s32 @!p0 $0x1A0, s24  }
0xae: {  	[tilespmem:s28], [sflag:$0x1] =	stream.indirect.gather @!p0 [hbm4b:s5+s26], $0x40, s25, s26, $0xb8;
	[tilespmem:$0xFE00] =	vst v63  }
0xaf: {  	s24 =	sadd.s32 @!p0 $0x208, s24;
	s25 =	simm.s32 @!p0 $0xB300  }
0xb0: {  	[tilespmem:s25], [sflag:$0x1] =	stream.indirect.gather @!p0 [hbm4b:s5+s26], $0x40, s24, s26, $0xb8;
	[tilespmem:$0xFE00] =	vst v63  }
0xb1: {  	_ =	swait.ge [sflag:s18], $0x1900  }
0xb2: {  	[sflag:s18] =	ssyncset.done $0x0  }
0xb3: {  	[sflag:s18] =	ssyncadd.s32 $0xFFFFE700  }
0xb4: {  	_ =	swait.ge [sflag:s18], $0x1900  }
0xb5: {  	[sflag:s18] =	ssyncset.done $0x0  }
0xb6: {  	s24 =	simm.s32 $0x0;
	[sflag:s18] =	ssyncadd.s32 $0xFFFFE700  }
0xb7: {  	v0 =	vld [tilespmem:s24+$0x69F0]  }
0xb8: {  	v1 =	vld [tilespmem:s24+$0x6800]  }
0xb9: {  	v2 =	vld [tilespmem:s24+$0x6810]  }
0xba: {  	v3 =	vld [tilespmem:s24+$0x6820]  }
0xbb: {  	v4 =	vld [tilespmem:s24+$0x6830]  }
0xbc: {  	v5 =	vld [tilespmem:s24+$0x6840]  }
0xbd: {  	v6 =	vld [tilespmem:s24+$0x6850]  }
0xbe: {  	v7 =	vld [tilespmem:s24+$0x6860]  }
0xbf: {  	v8 =	vld [tilespmem:s24+$0x6870]  }
0xc0: {  	v9 =	vld [tilespmem:s24+$0x6880]  }
0xc1: {  	v10 =	vld [tilespmem:s24+$0x6890]  }
0xc2: {  	v11 =	vld [tilespmem:s24+$0x68A0]  }
0xc3: {  	v12 =	vld [tilespmem:s24+$0x68B0]  }
0xc4: {  	v13 =	vld [tilespmem:s24+$0x68C0]  }
0xc5: {  	v14 =	vld [tilespmem:s24+$0x68D0]  }
0xc6: {  	v15 =	vld [tilespmem:s24+$0x68E0]  }
0xc7: {  	v16 =	vld [tilespmem:s24+$0x68F0]  }
0xc8: {  	v17 =	vld [tilespmem:s24+$0x6900]  }
0xc9: {  	v18 =	vld [tilespmem:s24+$0x6910]  }
0xca: {  	v19 =	vld [tilespmem:s24+$0x6920]  }
0xcb: {  	v20 =	vld [tilespmem:s24+$0x6930]  }
0xcc: {  	v21 =	vld [tilespmem:s24+$0x6940]  }
0xcd: {  	v22 =	vld [tilespmem:s24+$0x6950]  }
0xce: {  	v23 =	vld [tilespmem:s24+$0x6960]  }
0xcf: {  	v24 =	vld [tilespmem:s24+$0x6970]  }
0xd0: {  	v25 =	vld [tilespmem:s24+$0x6980]  }
0xd1: {  	v26 =	vld [tilespmem:s24+$0x6990]  }
0xd2: {  	v27 =	vld [tilespmem:s24+$0x69A0]  }
0xd3: {  	v28 =	vld [tilespmem:s24+$0x69B0]  }
0xd4: {  	v29 =	vld [tilespmem:s24+$0x69C0]  }
0xd5: {  	v30 =	vld [tilespmem:s24+$0x69D0]  }
0xd6: {  	[tilespmem:s24+$0xCDF0] =	vst.add.f32.msk $0xffff, v0  }
0xd7: {  	v0 =	vld [tilespmem:s24+$0x69E0]  }
0xd8: {  	[tilespmem:s24+$0xCC00] =	vst.add.f32.msk $0xffff, v1  }
0xd9: {  	[tilespmem:s24+$0xCC10] =	vst.add.f32.msk $0xffff, v2  }
0xda: {  	[tilespmem:s24+$0xCC20] =	vst.add.f32.msk $0xffff, v3  }
0xdb: {  	[tilespmem:s24+$0xCC30] =	vst.add.f32.msk $0xffff, v4  }
0xdc: {  	[tilespmem:s24+$0xCC40] =	vst.add.f32.msk $0xffff, v5  }
0xdd: {  	[tilespmem:s24+$0xCC50] =	vst.add.f32.msk $0xffff, v6  }
0xde: {  	[tilespmem:s24+$0xCC60] =	vst.add.f32.msk $0xffff, v7  }
0xdf: {  	[tilespmem:s24+$0xCC70] =	vst.add.f32.msk $0xffff, v8  }
0xe0: {  	[tilespmem:s24+$0xCC80] =	vst.add.f32.msk $0xffff, v9  }
0xe1: {  	[tilespmem:s24+$0xCC90] =	vst.add.f32.msk $0xffff, v10  }
0xe2: {  	[tilespmem:s24+$0xCCA0] =	vst.add.f32.msk $0xffff, v11  }
0xe3: {  	[tilespmem:s24+$0xCCB0] =	vst.add.f32.msk $0xffff, v12  }
0xe4: {  	[tilespmem:s24+$0xCCC0] =	vst.add.f32.msk $0xffff, v13  }
0xe5: {  	[tilespmem:s24+$0xCCD0] =	vst.add.f32.msk $0xffff, v14  }
0xe6: {  	[tilespmem:s24+$0xCCE0] =	vst.add.f32.msk $0xffff, v15  }
0xe7: {  	[tilespmem:s24+$0xCCF0] =	vst.add.f32.msk $0xffff, v16  }
0xe8: {  	[tilespmem:s24+$0xCD00] =	vst.add.f32.msk $0xffff, v17  }
0xe9: {  	[tilespmem:s24+$0xCD10] =	vst.add.f32.msk $0xffff, v18  }
0xea: {  	[tilespmem:s24+$0xCD20] =	vst.add.f32.msk $0xffff, v19  }
0xeb: {  	[tilespmem:s24+$0xCD30] =	vst.add.f32.msk $0xffff, v20  }
0xec: {  	[tilespmem:s24+$0xCD40] =	vst.add.f32.msk $0xffff, v21  }
0xed: {  	[tilespmem:s24+$0xCD50] =	vst.add.f32.msk $0xffff, v22  }
0xee: {  	[tilespmem:s24+$0xCD60] =	vst.add.f32.msk $0xffff, v23  }
0xef: {  	[tilespmem:s24+$0xCD70] =	vst.add.f32.msk $0xffff, v24  }
0xf0: {  	[tilespmem:s24+$0xCD80] =	vst.add.f32.msk $0xffff, v25  }
0xf1: {  	[tilespmem:s24+$0xCD90] =	vst.add.f32.msk $0xffff, v26  }
0xf2: {  	[tilespmem:s24+$0xCDA0] =	vst.add.f32.msk $0xffff, v27  }
0xf3: {  	[tilespmem:s24+$0xCDB0] =	vst.add.f32.msk $0xffff, v28  }
0xf4: {  	[tilespmem:s24+$0xCDC0] =	vst.add.f32.msk $0xffff, v29  }
0xf5: {  	s25 =	simm.s32 $0x0;
	s26 =	simm.s32 $0x800;
	[tilespmem:s24+$0xCDD0] =	vst.add.f32.msk $0xffff, v30  }
.LBB2_5:
0xf6: {  	s25 =	sadd.s32 $0x8, s25;
	[tilespmem:s24+$0xCDE0] =	vst.add.f32.msk $0xffff, v0;
	s24 =	sshra.s32 s26, $0x2  }
0xf7: {  	v0 =	vld [tilespmem:s24+$0x69F0];
	p0 =	slt.u32 s25, $0xC0  }
0xf8: {  	v1 =	vld [tilespmem:s24+$0x6800]  }
0xf9: {  	v2 =	vld [tilespmem:s24+$0x6810]  }
0xfa: {  	v3 =	vld [tilespmem:s24+$0x6820]  }
0xfb: {  	v4 =	vld [tilespmem:s24+$0x6830]  }
0xfc: {  	[tilespmem:s24+$0xCDF0] =	vst.add.f32.msk $0xffff, v0  }
0xfd: {  	v5 =	vld [tilespmem:s24+$0x6840]  }
0xfe: {  	v6 =	vld [tilespmem:s24+$0x6850]  }
0xff: {  	v7 =	vld [tilespmem:s24+$0x6860]  }
0x100: {  	v8 =	vld [tilespmem:s24+$0x6870]  }
0x101: {  	v9 =	vld [tilespmem:s24+$0x6880]  }
0x102: {  	v10 =	vld [tilespmem:s24+$0x6890]  }
0x103: {  	v11 =	vld [tilespmem:s24+$0x68A0]  }
0x104: {  	v12 =	vld [tilespmem:s24+$0x68B0]  }
0x105: {  	v13 =	vld [tilespmem:s24+$0x68C0]  }
0x106: {  	v14 =	vld [tilespmem:s24+$0x68D0]  }
0x107: {  	v15 =	vld [tilespmem:s24+$0x68E0]  }
0x108: {  	v16 =	vld [tilespmem:s24+$0x68F0]  }
0x109: {  	v17 =	vld [tilespmem:s24+$0x6900]  }
0x10a: {  	v18 =	vld [tilespmem:s24+$0x6910]  }
0x10b: {  	v19 =	vld [tilespmem:s24+$0x6920]  }
0x10c: {  	v20 =	vld [tilespmem:s24+$0x6930]  }
0x10d: {  	v21 =	vld [tilespmem:s24+$0x6940]  }
0x10e: {  	v22 =	vld [tilespmem:s24+$0x6950]  }
0x10f: {  	v23 =	vld [tilespmem:s24+$0x6960]  }
0x110: {  	v24 =	vld [tilespmem:s24+$0x6970]  }
0x111: {  	v25 =	vld [tilespmem:s24+$0x6980]  }
0x112: {  	v26 =	vld [tilespmem:s24+$0x6990]  }
0x113: {  	v27 =	vld [tilespmem:s24+$0x69A0]  }
0x114: {  	v28 =	vld [tilespmem:s24+$0x69B0]  }
0x115: {  	v29 =	vld [tilespmem:s24+$0x69C0]  }
0x116: {  	v30 =	vld [tilespmem:s24+$0x69D0]  }
0x117: {  	v0 =	vld [tilespmem:s24+$0x69E0]  }
0x118: {  	[tilespmem:s24+$0xCC00] =	vst.add.f32.msk $0xffff, v1  }
0x119: {  	[tilespmem:s24+$0xCC10] =	vst.add.f32.msk $0xffff, v2  }
0x11a: {  	[tilespmem:s24+$0xCC20] =	vst.add.f32.msk $0xffff, v3  }
0x11b: {  	[tilespmem:s24+$0xCC30] =	vst.add.f32.msk $0xffff, v4  }
0x11c: {  	[tilespmem:s24+$0xCC40] =	vst.add.f32.msk $0xffff, v5  }
0x11d: {  	[tilespmem:s24+$0xCC50] =	vst.add.f32.msk $0xffff, v6  }
0x11e: {  	[tilespmem:s24+$0xCC60] =	vst.add.f32.msk $0xffff, v7  }
0x11f: {  	[tilespmem:s24+$0xCC70] =	vst.add.f32.msk $0xffff, v8  }
0x120: {  	[tilespmem:s24+$0xCC80] =	vst.add.f32.msk $0xffff, v9  }
0x121: {  	[tilespmem:s24+$0xCC90] =	vst.add.f32.msk $0xffff, v10  }
0x122: {  	[tilespmem:s24+$0xCCA0] =	vst.add.f32.msk $0xffff, v11  }
0x123: {  	[tilespmem:s24+$0xCCB0] =	vst.add.f32.msk $0xffff, v12  }
0x124: {  	[tilespmem:s24+$0xCCC0] =	vst.add.f32.msk $0xffff, v13  }
0x125: {  	[tilespmem:s24+$0xCCD0] =	vst.add.f32.msk $0xffff, v14  }
0x126: {  	[tilespmem:s24+$0xCCE0] =	vst.add.f32.msk $0xffff, v15  }
0x127: {  	[tilespmem:s24+$0xCCF0] =	vst.add.f32.msk $0xffff, v16  }
0x128: {  	[tilespmem:s24+$0xCD00] =	vst.add.f32.msk $0xffff, v17  }
0x129: {  	[tilespmem:s24+$0xCD10] =	vst.add.f32.msk $0xffff, v18  }
0x12a: {  	[tilespmem:s24+$0xCD20] =	vst.add.f32.msk $0xffff, v19  }
0x12b: {  	[tilespmem:s24+$0xCD30] =	vst.add.f32.msk $0xffff, v20  }
0x12c: {  	[tilespmem:s24+$0xCD40] =	vst.add.f32.msk $0xffff, v21  }
0x12d: {  	[tilespmem:s24+$0xCD50] =	vst.add.f32.msk $0xffff, v22  }
0x12e: {  	[tilespmem:s24+$0xCD60] =	vst.add.f32.msk $0xffff, v23  }
0x12f: {  	[tilespmem:s24+$0xCD70] =	vst.add.f32.msk $0xffff, v24  }
0x130: {  	[tilespmem:s24+$0xCD80] =	vst.add.f32.msk $0xffff, v25  }
.Ltmp1:
0x131: {  	[tilespmem:s24+$0xCD90] =	vst.add.f32.msk $0xffff, v26;
	(pc) =	sbr.rel @p0 .LBB2_5-.Ltmp1, $4  }
0x132: {  	[tilespmem:s24+$0xCDA0] =	vst.add.f32.msk $0xffff, v27  }
0x133: {  	[tilespmem:s24+$0xCDB0] =	vst.add.f32.msk $0xffff, v28  }
0x134: {  	[tilespmem:s24+$0xCDC0] =	vst.add.f32.msk $0xffff, v29  }
0x135: {  	s26 =	sadd.s32 $0x800, s26;
	[tilespmem:s24+$0xCDD0] =	vst.add.f32.msk $0xffff, v30  }
0x136: {  	s22 =	sadd.s32 $0x1, s22  }
0x137: {  	p0 =	sne.s32 s22, $0x40  }
.Ltmp2:
0x138: {  	s23 =	sadd.s32 s7, s23;
	(pc) =	sbr.rel @p0 .LBB2_2-.Ltmp2, $3  }
0x139: {  	s23 =	smul.u32 $0x640, s23;
	_ =	sdelay $0x1  }
0x13a: {  	[tilespmem:s24+$0xCDE0] =	vst.add.f32.msk $0xffff, v0;
	s23 =	sadd.s32 s2, s23  }
0x13b: {  	[hbm4b:s23+s3] =	stream.linear.scatter [tilespmem:s15], [sflag:$0x4], $0x3200, $0x38;
	[tilespmem:$0xFE00] =	vst v63  }
0x13c: {  	s21 =	sadd.s32 $0x1, s21  }
0x13d: {  	_ =	swait.ge [sflag:s19], $0x3200;
	p0 =	sne.s32 s21, s8  }
.Ltmp3:
0x13e: {  	[sflag:s19] =	ssyncset.done $0x0;
	(pc) =	sbr.rel @p0 .LBB2_1-.Ltmp3, $4  }
0x13f: {  	[sflag:s19] =	ssyncadd.s32 $0xFFFFCE00  }
0x140: {  	_ =	swait.ge [sflag:s20], $0x3200  }
0x141: {  	[sflag:s20] =	ssyncset.done $0x0  }
0x142: {  	[sflag:s20] =	ssyncadd.s32 $0xFFFFCE00  }
0x143: {  	_ =	sfence.sel $0x180000  }
0x144: {  	[bflag:$0x0] =	sbarrier.arrive $0xFFFF  }
0x145: {  	p0 =	sne.s32 s0, $0x0;
	_ =	strace $0x90000047  }
0x146: {  	s0 =	sadd.s32 @!p0 $0x100000, s1;
	[bflag:$0x2] =	sbarrier.arrive $0xFFFF  }
0x147: {  	[sflag:s0] =	ssyncadd.tile.s32 @!p0 $0x1;
	_ =	shalt  }
.Lfunc_end2:
_tile_overlayer_lowered:
.L_overlay_start_2:
0x148: {  	(tag) =	ssettag $0x2  }
0x149: {  	s0 =	rddreg [dreg:$0x0];
	s2 =	stileid.u32  }
0x14a: {  	s1 =	rddreg [dreg:$0x1];
	p0 =	sne.s32 s2, $0x0  }
0x14b: {  	s3 =	rddreg [dreg:$0x2];
	[bflag:$0x3] =	sbarrier.arrive $0xFFFF;
	s2 =	simm.s32 @!p0 $0x1C05  }
0x14c: {  	[timem:s3], [sflag:s2] =	dma.local @!p0 [hbm:s0], s1  }
0x14d: {  	s0 =	simm.s32 @!p0 $0x5  }
0x14e: {  	_ =	swait.ge @!p0 [sflag:s0], s1  }
0x14f: {  	s1 =	ssub.s32 @!p0 $0x0, s1;
	[sflag:s0] =	ssyncset.done @!p0 $0x0  }
0x150: {  	[sflag:s0] =	ssyncadd.s32 @!p0 s1  }
0x151: {  	[bflag:$0x3] =	sbarrier.arrive $0xFFFF  }
0x152: {  	_ =	shalt  }

// kernel: sparse-core-data-format-call.cloned.1.call-start
scs
called_computation_lowered:
.L_overlay_start_0:
0x0: {  	s2 =	sld [smem:$0x3FD9]  }
0x1: {  	s3 =	sld [smem:$0x3FFE];
	_ =	sdelay $0x1  }
0x2: {  	s1 =	srdreg.scid  }
0x3: {  	s0 =	sand.u32 $0x1, s1  }
0x4: {  	s18 =	sshll.u32 s0, $0xA;
	s2 =	sadd.s32 s3, s2  }
0x5: {  	s2 =	sadd.s32 s2, s18  }
0x6: {  	[smem:$0x3FC6] =	sst s2  }
0x7: {  	_ = 	snop  }
0x8: {  	s2 =	sld [smem:$0x3FD0];
	(tm) =	ssettm $0x1  }
0x9: {  	s19 =	sld [smem:$0x3FFB];
	_ =	sdelay $0x3  }
0xa: {  	_ =	strace s19  }
0xb: {  	s3 =	sld [smem:$0x3FFC];
	_ =	sdelay $0x3  }
0xc: {  	_ =	strace s3  }
0xd: {  	s3 =	sld [smem:$0x3FFD];
	_ =	sdelay $0x3  }
0xe: {  	_ =	strace s3  }
0xf: {  	_ =	strace $0x8FFFFFFF  }
0x10: {  	s20 =	sld [smem:$0x3FDB];
	_ =	sdelay $0x1  }
0x11: {  	s4 =	simm.s32 $_scs_section_size  }
0x12: {  	s5 =	simm.s32 $_size__tile_overlayer_lowered;
	s6 =	simm.s32 $_tile_overlayer_lowered  }
0x13: {  	s23 =	simm.s32 $0x1BFF;
	s22 =	sshll.u32 s6, $0x1;
	s3 =	sadd.s32 s4, s20  }
0x14: {  	s7 =	simm.s32 $0x0;
	s21 =	sshll.u32 s5, $0x1;
	s5 =	sadd.s32 s22, s3  }
0x15: {  	[timem:s7], [sflag:s23] =	dma.local [hbm:s5], s21  }
0x16: {  	_ =	swait.ge [sflag:s23], s21  }
0x17: {  	s4 =	ssub.s32 $0x0, s21;
	[sflag:s23] =	ssyncset.done $0x0  }
0x18: {  	[sflag:s23] =	ssyncadd.s32 s4;
	_ =	sdelay $0x1  }
0x19: {  	s24 =	simm.s32 $0x1B8B  }
0x1a: {  	_ =	swait.ge [sflag:s24], $0x1  }
0x1b: {  	[sflag:s24] =	ssyncset.done $0x0  }
0x1c: {  	s26 =	simm.s32 $0x1B8E;
	s25 =	sld [smem:$0x3FFE];
	[sflag:s24] =	ssyncadd.s32 $0xFFFFFFFF  }
0x1d: {  	s27 =	simm.s32 $execute0_lowered;
	[smem:$0x3FD2] =	sst s26  }
0x1e: {  	s5 =	sshll.u32 s27, $0x1;
	_ =	strace $0x80000049;
	[dreg:$0x1] =	wrdreg $0xFFFFFFFF  }
0x1f: {  	s28 =	simm.s32 $_size_execute0_lowered;
	s3 =	sadd.s32 s3, s5;
	[dreg:$0x0] =	wrdreg $0x0  }
0x20: {  	s5 =	sshll.u32 s28, $0x1;
	[dreg:$0x2] =	wrdreg s3  }
0x21: {  	[dreg:$0x3] =	wrdreg s5  }
0x22: {  	[dreg:$0x4] =	wrdreg $0xC0  }
0x23: {  	_ =	task [dreg:s7], $0x5FFFF  }
0x24: {  	[dreg:$0x1] =	wrdreg $0xFFFFFFFF  }
0x25: {  	[dreg:$0x0] =	wrdreg $0x60  }
0x26: {  	[dreg:$0x2] =	wrdreg s25  }
0x27: {  	[dreg:$0x3] =	wrdreg s2  }
0x28: {  	[dreg:$0x4] =	wrdreg $0x9  }
0x29: {  	_ =	task.clear_ibuf [dreg:s7], $0x5FFFF;
	_ =	strace $0x90000049  }
0x2a: {  	s29 =	simm.s32 $0x9;
	_ =	strace $0x8000004B  }
0x2b: {  	_ =	swait.ge [sflag:s29], $0x1  }
0x2c: {  	[sflag:s29] =	ssyncadd.s32 $0xFFFFFFFF  }
0x2d: {  	_ =	strace $0x9000004B  }
0x2e: {  	_ =	sfence  }
0x2f: {  	s30 =	sld [smem:$0x0];
	_ =	sdelay $0x2  }
0x30: {  	s31 =	sshll.u32 s1, $0xD;
	s1 =	sshrl.u32 s1, $0x2  }
0x31: {  	s3 =	sand.u32 $0x4000, s31;
	s1 =	sadd.s32 s1, s30  }
0x32: {  	s0 =	sor.u32 s3, s0;
	s1 =	sshll.u32 s1, $0x11  }
0x33: {  	s0 =	sor.u32 s1, s0  }
0x34: {  	s0 =	sadd.s32 $0x8F2B, s0  }
0x35: {  	[sflag:s0] =	ssyncadd.remote.s32 $0x1  }
0x36: {  	_ =	sfence.sel $0xFFFF  }
0x37: {  	[dreg:$0x0] =	wrdreg $0xFFFFFFFF;
	(pc) =	sbr.abs _section_cstart, $3  }
0x38: {  	[dreg:$0x1] =	wrdreg $0xFFFFFFFF  }
0x39: {  	_ =	task.clear_ibuf [dreg:s7], $0x2FFFF;
	_ =	strace $0x9FFFFFFF  }
0x3a: {  	(tm) =	ssettm $0x7FFFFFFF  }
0x3b: {  	_ =	shalt  }
tec
execute0_lowered:
.L_overlay_start_1:
0x0: {  	(tag) =	ssettag $0x1  }
0x1: {  	s0 =	srdreg.scid  }
0x2: {  	s1 =	sshll.u32 s0, $0x4  }
0x3: {  	s0 =	stileid.u32;
	s1 =	sand.u32 $0x10, s1  }
0x4: {  	s1 =	sor.u32 s0, s1  }
0x5: {  	s6 =	rddreg [dreg:$0x0];
	s4 =	simm.s32 $0x1;
	s2 =	sshll.u32 s1, $0x7  }
0x6: {  	s7 =	simm.s32 $0x2;
	s12 =	simm.s32 $0x0;
	s1 =	ssub.s32 $0x1000, s2  }
0x7: {  	s8 =	simm.s32 $0x8000;
	s13 =	simm.s32 $0x0;
	s3 =	sand.u32 $0xF80, s1  }
0x8: {  	s9 =	simm.s32 $0x0;
	s5 =	sshrl.u32 s1, $0xC;
	p0 =	sne.s32 s3, $0x0  }
.Ltmp0:
0x9: {  	s1 =	rddreg [dreg:$0x2];
	s4 =	simm.s32 @!p0 $0x0;
	(pc) =	sbr.rel .LBB1_1-.Ltmp0, $4  }
0xa: {  	s11 =	simm.s32 $0x0;
	s3 =	rddreg [dreg:$0x1];
	s5 =	sadd.s32 s4, s5  }
0xb: {  	_ =	strace $0x8000004A;
	s4 =	simm.s32 $0x1;
	s5 =	smul.u32 $0xC8, s5  }
0xc: {  	s6 =	sadd.s32 $0xA00, s6;
	s10 =	smov.u32 s2;
	[sflag:s4] =	ssyncpa.u1 $0x0  }
0xd: {  	p0 =	por $0x0, $0x0;
	[sflag:s7] =	ssyncpa.u1 $0x0;
	s7 =	sor.u32 $0x1, s5  }
.LBB1_4:
0xe: {  	s16 =	sshll.u32 s13, $0x3;
	s17 =	sand.u32 $0x78, s13  }
0xf: {  	s30 =	sand.u32 $0x7E00, s13;
	s12 =	sshll.u32 s12, $0xF;
	s16 =	sand.u32 $0xC00, s16  }
0x10: {  	[tilespmem:s15+$0x810 ss:$0x81] =	vst.msk $0xffff, v2;
	s31 =	sand.u32 $0x7, s13;
	s16 =	sor.u32 s17, s16;
	s17 =	sadd.s32 s3, s30  }
0x11: {  	[tilespmem:s15+$0x1020 ss:$0x81] =	vst.msk $0xffff, v0;
	s13 =	sshll.u32 s31, $0x12;
	s12 =	sadd.s32 s12, s17;
	s16 =	sshrl.u32 s16, $0x3  }
0x12: {  	[tilespmem:s15+$0x0 ss:$0x81] =	vst.msk $0xffff, v1;
	s13 =	sor.u32 $0x400, s13;
	s12 =	sadd.s32 s16, s12  }
0x13: {  	[hbm4b:s12+s13] =	stream.strided.scatter [tilespmem:s14], [sflag:$0x2], $0x2000, s8, s13, $0x20;
	[tilespmem:$0x8080] =	vst v63  }
.LBB1_5:
0x14: {  	s14 =	sadd.s32 $0x1, s9  }
0x15: {  	s12 =	sadd.s32 $0x1000, s10;
	s16 =	smov.u32 s10;
	p2 =	sgt.s32 s14, $0xC7  }
0x16: {  	s16 =	smov.u32 @p2 s12  }
0x17: {  	s14 =	simm.s32 @p2 $0x0;
	p2 =	sgt.s32 s16, $0xFFF  }
0x18: {  	s16 =	smov.u32 @p2 s2;
	p2 =	sne.s32 s11, s7  }
.Ltmp1:
0x19: {  	p1 =	slt.u32 s11, $0x2;
	(pc) =	sbr.rel @!p2 .LBB1_6-.Ltmp1, $4  }
0x1a: {  	s15 =	simm.s32 @!p1 $0x2  }
0x1b: {  	s13 =	smov.u32 s10;
	p0 =	por !p0, !p0;
	_ =	swait.ge @!p1 [sflag:s15], $0x2000  }
0x1c: {  	s12 =	smov.u32 s9;
	[sflag:s15] =	ssyncset.done @!p1 $0x0;
	s9 =	smov.u32 s14  }
0x1d: {  	s11 =	sadd.s32 $0x1, s11;
	[sflag:s15] =	ssyncadd.s32 @!p1 $0xFFFFE000;
	s10 =	smov.u32 s16  }
.LBB1_1:
0x1e: {  	p1 =	sge.u32 s11, s5  }
0x1f: {  	s14 =	sand.u32 @!p1 $0x1FFFFFF, s9  }
0x20: {  	s15 =	smulhi.u32 @!p1 $0x147AE15, s14;
	_ =	sdelay $0x1  }
0x21: {  	s15 =	smul.u32 @!p1 $0xC8, s15  }
0x22: {  	s16 =	sxor.u32 @!p1 $0xFFFFFFFF, s11;
	s17 =	smul.u32 @!p1 $0xC80, s10  }
0x23: {  	s31 =	sadd.s32 $0xFFFFFFFF, s11;
	s16 =	sshll.u32 @!p1 s16, $0xD;
	s14 =	ssub.s32 @!p1 s14, s15  }
0x24: {  	s15 =	sand.u32 @!p1 $0x2000, s16;
	s16 =	sadd.s32 @!p1 s6, s17;
	s14 =	sshll.u32 @!p1 s14, $0x4  }
0x25: {  	s17 =	simm.s32 @!p1 $0x6400;
	s14 =	sadd.s32 @!p1 s14, s16;
	s16 =	simm.s32 @!p1 $0x40  }
0x26: {  	[tilespmem:s15], [sflag:$0x1] =	stream.strided.gather @!p1 [hbm4b:s14+s16], $0x2000, s17, s16, $0x38;
	[tilespmem:$0x8080] =	vst v63  }
0x27: {  	p1 =	sge.u32 s31, s5  }
.Ltmp2:
0x28: {  	_ = 	snop;
	(pc) =	sbr.rel @p1 .LBB1_5-.Ltmp2, $1  }
0x29: {  	_ =	sdelay $0x3  }
0x2a: {  	s14 =	simm.s32 $0x1  }
0x2b: {  	_ =	swait.ge [sflag:s4], $0x2000;
	s14 =	simm.s32 @!p0 $0x0  }
0x2c: {  	[sflag:s4] =	ssyncset.done $0x0;
	s15 =	sshll.u32 s14, $0xD  }
0x2d: {  	[sflag:s4] =	ssyncadd.s32 $0xFFFFE000;
	s18 =	sor.u32 $0x20, s15  }
0x2e: {  	s14 =	smul.u32 $0x8100, s14;
	v3 =	vld [tilespmem:s18+$0x10]  }
0x2f: {  	s30 =	sand.u32 $0x1, s11;
	v2 =	vld [tilespmem:s18+$0xFFFFFFF0]  }
0x30: {  	s15 =	smul.u32 $0x8100, s30;
	s14 =	sshrl.u32 s14, $0x2;
	v0 =	vld [tilespmem:s18+$0x0]  }
0x31: {  	v1 =	vld [tilespmem:s18+$0xFFFFFFE0];
	s16 =	sor.u32 $0x4000, s14  }
0x32: {  	s31 =	sshrl.u32 s15, $0x2;
	s15 =	sadd.s32 $0x0, s16  }
0x33: {  	s17 =	simm.s32 $0x4;
	s18 =	sadd.s32 $0x40, s18;
	s14 =	sor.u32 $0x4000, s31;
	[tilespmem:s15+$0x1830 ss:$0x81] =	vst.msk $0xffff, v3  }
.LBB1_3:
0x34: {  	v3 =	vld [tilespmem:s18+$0x10];
	p1 =	sne.s32 s17, $0x1FC;
	[tilespmem:s15+$0x810 ss:$0x81] =	vst.msk $0xffff, v2;
	s19 =	smov.u32 s17;
	s17 =	sadd.s32 $0x4, s17  }
.Ltmp3:
0x35: {  	v2 =	vld [tilespmem:s18+$0xFFFFFFF0];
	[tilespmem:s15+$0x1020 ss:$0x81] =	vst.msk $0xffff, v0;
	(pc) =	sbr.rel @p1 .LBB1_3-.Ltmp3, $4  }
0x36: {  	v0 =	vld [tilespmem:s18+$0x0];
	[tilespmem:s15+$0x0 ss:$0x81] =	vst.msk $0xffff, v1  }
0x37: {  	s15 =	sshra.s32 s19, $0x2;
	v1 =	vld [tilespmem:s18+$0xFFFFFFE0]  }
0x38: {  	s15 =	sadd.s32 s15, s16  }
0x39: {  	s18 =	sadd.s32 $0x40, s18;
	[tilespmem:s15+$0x1830 ss:$0x81] =	vst.msk $0xffff, v3  }
.Ltmp4:
0x3a: {  	_ = 	snop;
	(pc) =	sbr.rel .LBB1_4-.Ltmp4, $1  }
0x3b: {  	_ =	sdelay $0x3  }
.LBB1_6:
0x3c: {  	_ =	sfence.sel $0x180000  }
0x3d: {  	s2 =	simm.s32 $0x1;
	[bflag:$0x0] =	sbarrier.arrive $0xFFFF  }
0x3e: {  	s31 =	simm.s32 $0x2;
	[sflag:s2] =	ssyncpa.u1 $0x1  }
0x3f: {  	[sflag:s31] =	ssyncpa.u1 $0x1  }
0x40: {  	p0 =	sne.s32 s0, $0x0;
	_ =	strace $0x9000004A  }
0x41: {  	s0 =	sadd.s32 @!p0 $0x100000, s1;
	[bflag:$0x2] =	sbarrier.arrive $0xFFFF  }
0x42: {  	[sflag:s0] =	ssyncadd.tile.s32 @!p0 $0x1;
	_ =	shalt  }
.Lfunc_end1:
_tile_overlayer_lowered:
.L_overlay_start_2:
0x43: {  	(tag) =	ssettag $0x2  }
0x44: {  	s0 =	rddreg [dreg:$0x0];
	s2 =	stileid.u32  }
0x45: {  	s1 =	rddreg [dreg:$0x1];
	p0 =	sne.s32 s2, $0x0  }
0x46: {  	s3 =	rddreg [dreg:$0x2];
	[bflag:$0x3] =	sbarrier.arrive $0xFFFF;
	s2 =	simm.s32 @!p0 $0x1C01  }
0x47: {  	[timem:s3], [sflag:s2] =	dma.local @!p0 [hbm:s0], s1  }
0x48: {  	s0 =	simm.s32 @!p0 $0x1  }
0x49: {  	_ =	swait.ge @!p0 [sflag:s0], s1  }
0x4a: {  	s1 =	ssub.s32 @!p0 $0x0, s1;
	[sflag:s0] =	ssyncset.done @!p0 $0x0  }
0x4b: {  	[sflag:s0] =	ssyncadd.s32 @!p0 s1  }
0x4c: {  	[bflag:$0x3] =	sbarrier.arrive $0xFFFF  }
0x4d: {  	_ =	shalt  }

</sc_bundles>
